<compile_context>
chip_gen: v7x
topology: tpu7x:2x2x1
jax: 0.10.2.dev20260603
libtpu: 0.0.44.dev20260713+nightly
codegen_flags: <defaults>
</compile_context>

<pallas_src>
import functools

import jax
import jax.numpy as jnp
from jax import lax
from jax.experimental import pallas as pl
from jax.experimental.pallas import tpu as pltpu
from jax.experimental.pallas import tpu_sc as plsc

N = 1048576
D = 16
NC = 2
NS = 16
NW = NC * NS

SC_COLS = 458752
SCW = SC_COLS // NW
CH = 1024
NCH = SCW // CH

BC = 65536
TC_OFF = SC_COLS // BC


def _tc_partials(in_t, tg_t, q):
    grid = (N - SC_COLS) // BC

    def tc_body(in_ref, tg_ref, q_ref, acc_ref):
        qv = q_ref[...].astype(jnp.float32)
        m1 = qv * (2.0 - qv)
        m2 = qv * (qv - 1.0) * 0.5
        m1e = lax.broadcast_in_dim(m1, (D, BC), (1,))
        m2e = lax.broadcast_in_dim(m2, (D, BC), (1,))
        tv = tg_ref[...]
        dd = in_ref[...] - tv
        gap = (tv * m1e + m2e) * dd
        g2 = gap * gap
        g2 = g2[0:8] + g2[8:16]
        g2 = g2[0:4] + g2[4:8]
        g2 = g2[0:2] + g2[2:4]
        g2 = g2[0:1] + g2[1:2]
        h = BC
        while h > 1024:
            h //= 2
            g2 = g2[:, :h] + g2[:, h:2 * h]

        @pl.when(pl.program_id(0) == 0)
        def _():
            acc_ref[...] = jnp.zeros_like(acc_ref)

        acc_ref[...] += g2

    return pl.pallas_call(
        tc_body,
        grid=(grid,),
        in_specs=[
            pl.BlockSpec((D, BC), lambda i: (0, i + TC_OFF)),
            pl.BlockSpec((D, BC), lambda i: (0, i + TC_OFF)),
            pl.BlockSpec((BC,), lambda i: (i + TC_OFF,)),
        ],
        out_specs=pl.BlockSpec((1, 1024), lambda i: (0, 0)),
        out_shape=jax.ShapeDtypeStruct((1, 1024), jnp.float32),
    )(in_t, tg_t, q)


def _sc_partials(in_t, tg_t, q):
    mesh = plsc.VectorSubcoreMesh(core_axis_name="c", subcore_axis_name="s")

    @functools.partial(
        pl.kernel,
        out_type=jax.ShapeDtypeStruct((NW, 16), jnp.float32),
        mesh=mesh,
        scratch_types=[
            pltpu.VMEM((D, CH), jnp.float32),
            pltpu.VMEM((D, CH), jnp.float32),
            pltpu.VMEM((CH,), jnp.int32),
            pltpu.VMEM((D, CH), jnp.float32),
            pltpu.VMEM((D, CH), jnp.float32),
            pltpu.VMEM((CH,), jnp.int32),
            pltpu.VMEM((16,), jnp.float32),
            pltpu.SemaphoreType.DMA,
            pltpu.SemaphoreType.DMA,
        ],
    )
    def body(in_hbm, tg_hbm, q_hbm, out_hbm,
             in_v0, tg_v0, q_v0, in_v1, tg_v1, q_v1, acc_v,
             s0, s1):
        wid = lax.axis_index("s") * NC + lax.axis_index("c")
        base = wid * SCW
        bufs = ((in_v0, tg_v0, q_v0, s0),
                (in_v1, tg_v1, q_v1, s1))

        def descs(k, b):
            iv, tv, qv, sem = b
            c0 = base + k * CH
            return (
                pltpu.make_async_copy(in_hbm.at[:, pl.ds(c0, CH)], iv, sem),
                pltpu.make_async_copy(tg_hbm.at[:, pl.ds(c0, CH)], tv, sem),
                pltpu.make_async_copy(q_hbm.at[pl.ds(c0, CH)], qv, sem),
            )

        def start(k, b):
            for c in descs(k, b):
                c.start()

        def wait(k, b):
            for c in descs(k, b):
                c.wait()

        def compute(b, acc):
            iv, tv, qv = b[0], b[1], b[2]

            def col_group(g, acc):
                acc1, acc2 = acc
                c0 = g * 16
                qf = qv[pl.ds(c0, 16)].astype(jnp.float32)
                m1 = qf * (2.0 - qf)
                m2 = qf * (qf - 1.0) * 0.5
                for f in range(D):
                    ig = iv[f, pl.ds(c0, 16)]
                    tg = tv[f, pl.ds(c0, 16)]
                    dd = ig - tg
                    p = tg * dd
                    acc1 = acc1 + m1 * (p * p)
                    acc2 = acc2 + m2 * (dd * dd)
                return acc1, acc2

            return lax.fori_loop(0, CH // 16, col_group, acc)

        start(0, bufs[0])
        zero = jnp.zeros((16,), jnp.float32)

        def outer(i, acc):
            k0 = 2 * i
            wait(k0, bufs[0])
            start(k0 + 1, bufs[1])
            acc = compute(bufs[0], acc)
            wait(k0 + 1, bufs[1])

            @pl.when(k0 + 2 < NCH)
            def _():
                start(k0 + 2, bufs[0])

            return compute(bufs[1], acc)

        acc1, acc2 = lax.fori_loop(0, NCH // 2, outer, (zero, zero))
        acc_v[...] = acc1 + acc2
        pltpu.sync_copy(acc_v, out_hbm.at[wid])

    return body(in_t, tg_t, q)


def kernel(input_y, target_y, q, weights_gap, weights_l2):
    in_t = input_y.T
    tg_t = target_y.T
    tc = _tc_partials(in_t, tg_t, q)
    sc = _sc_partials(in_t, tg_t, q)
    total = jnp.sum(sc) + jnp.sum(tc)
    return total * jnp.float32(1.0 / (N * D))

# --- scband reference (transcript-rebuilt; emitter-appended) ---
"""Pipeline reference for scband-mseloss-cov-1073741824534 (READ-ONLY COPY).

The authoritative reference and input builder live on the scoring server;
editing this copy changes nothing except your own understanding.
"""

import jax, jax.numpy as jnp
import numpy as np

N = 1048576
D = 16

def setup_inputs(seed: int = 0) -> dict:
    key = jax.random.key(seed)
    k1, k2, k3 = jax.random.split(key, 3)
    input_y = jax.random.normal(k1, (N, D), dtype=jnp.float32)
    target_y = jax.random.normal(k2, (N, D), dtype=jnp.float32)
    # q-labels per row: 0 (untouched -> gap stays zero), 1, or 2
    q = jax.random.randint(k3, (N,), 0, 3, dtype=jnp.int32)
    weights_gap = jnp.ones((D,), dtype=jnp.float32)
    weights_l2 = jnp.ones((D,), dtype=jnp.float32)
    return {"input_y": input_y, "target_y": target_y, "q": q,
            "weights_gap": weights_gap, "weights_l2": weights_l2}

def reference(input_y, target_y, q, weights_gap, weights_l2):
    # Faithful translation of MSELossCov.forward:
    #   gap = zeros_like(target.y)
    #   gap[rows with q==1] = target * (input - target)   (covariance-style rows)
    #   gap[rows with q==2] = input - target               (mean-style rows)
    #   loss = mean(|gap|^2)
    # weights_gap / weights_l2 are accepted but unused by the original forward.
    mask1 = (q == 1)[:, None]
    mask2 = (q == 2)[:, None]
    gap = jnp.zeros_like(target_y)
    gap = jnp.where(mask1, target_y * (input_y - target_y), gap)
    gap = jnp.where(mask2, input_y - target_y, gap)
    loss = jnp.mean(jnp.abs(gap) ** 2.0)
    return loss

if __name__ == "__main__":
    import jax
    _d = setup_inputs()
    print(jax.jit(kernel)(*tuple(_d.values())))

</pallas_src>

<mosaic_0001>
#map = affine_map<(d0, d1) -> (0, 0)>
#map1 = affine_map<(d0, d1) -> (0)>
module attributes {stable_mosaic.version = 14 : i64} {
  func.func @body(%arg0: i32, %arg1: i32, %arg2: memref<16x1048576xf32, #tpu.memory_space<hbm>>, %arg3: memref<16x1048576xf32, #tpu.memory_space<hbm>>, %arg4: memref<1048576xi32, #tpu.memory_space<hbm>>, %arg5: memref<32x16xf32, #tpu.memory_space<hbm>>, %arg6: memref<16x1024xf32, #tpu.memory_space<vmem>>, %arg7: memref<16x1024xf32, #tpu.memory_space<vmem>>, %arg8: memref<1024xi32, #tpu.memory_space<vmem>>, %arg9: memref<16x1024xf32, #tpu.memory_space<vmem>>, %arg10: memref<16x1024xf32, #tpu.memory_space<vmem>>, %arg11: memref<1024xi32, #tpu.memory_space<vmem>>, %arg12: memref<16xf32, #tpu.memory_space<vmem>>, %arg13: memref<!tpu.dma_semaphore, #tpu.memory_space<semaphore_mem>>, %arg14: memref<!tpu.dma_semaphore, #tpu.memory_space<semaphore_mem>>) attributes {dimension_semantics = [#tpu.dimension_semantics<core_parallel>, #tpu.dimension_semantics<subcore_parallel>], iteration_bounds = array<i64: 2, 16>, scalar_prefetch = 0 : i64, scratch_operands = 9 : i64, tpu.core_type = #tpu.core_type<sc_vector_subcore>, window_params = [{transform_indices = #map}, {transform_indices = #map}, {transform_indices = #map1}, {transform_indices = #map}]} {
    %mul3A = arith.constant 2 : i32
    %mul3A_0 = arith.muli %arg1, %mul3A : i32
    %add3A = arith.addi %mul3A_0, %arg0 : i32
    %mul3A_1 = arith.constant 14336 : i32
    %mul3A_2 = arith.muli %add3A, %mul3A_1 : i32
    %add3A_3 = arith.constant 0 : i32
    %add3A_4 = arith.addi %mul3A_2, %add3A_3 : i32
    %dma_start3A = arith.constant 0 : i32
    %dma_start3A_5 = tpu.memref_slice %arg2[%dma_start3A, %add3A_4] : memref<16x1048576xf32, #tpu.memory_space<hbm>> -> memref<16x1024xf32, #tpu.memory_space<hbm>>
    %dma_start3A_6 = arith.constant 0 : i32
    %dma_start3A_7 = tpu.memref_slice %arg2[%dma_start3A_6, %add3A_4] : memref<16x1048576xf32, #tpu.memory_space<hbm>> -> memref<16x1024xf32, #tpu.memory_space<hbm>>
    tpu.enqueue_dma source(%dma_start3A_7 : memref<16x1024xf32, #tpu.memory_space<hbm>>) target(%arg6 : memref<16x1024xf32, #tpu.memory_space<vmem>>) target_semaphore(%arg13 : memref<!tpu.dma_semaphore, #tpu.memory_space<semaphore_mem>>)
    %dma_start3A_8 = arith.constant 0 : i32
    %dma_start3A_9 = tpu.memref_slice %arg3[%dma_start3A_8, %add3A_4] : memref<16x1048576xf32, #tpu.memory_space<hbm>> -> memref<16x1024xf32, #tpu.memory_space<hbm>>
    %dma_start3A_10 = arith.constant 0 : i32
    %dma_start3A_11 = tpu.memref_slice %arg3[%dma_start3A_10, %add3A_4] : memref<16x1048576xf32, #tpu.memory_space<hbm>> -> memref<16x1024xf32, #tpu.memory_space<hbm>>
    tpu.enqueue_dma source(%dma_start3A_11 : memref<16x1024xf32, #tpu.memory_space<hbm>>) target(%arg7 : memref<16x1024xf32, #tpu.memory_space<vmem>>) target_semaphore(%arg13 : memref<!tpu.dma_semaphore, #tpu.memory_space<semaphore_mem>>)
    %dma_start3A_12 = tpu.memref_slice %arg4[%add3A_4] : memref<1048576xi32, #tpu.memory_space<hbm>> -> memref<1024xi32, #tpu.memory_space<hbm>>
    %dma_start3A_13 = tpu.memref_slice %arg4[%add3A_4] : memref<1048576xi32, #tpu.memory_space<hbm>> -> memref<1024xi32, #tpu.memory_space<hbm>>
    tpu.enqueue_dma source(%dma_start3A_13 : memref<1024xi32, #tpu.memory_space<hbm>>) target(%arg8 : memref<1024xi32, #tpu.memory_space<vmem>>) target_semaphore(%arg13 : memref<!tpu.dma_semaphore, #tpu.memory_space<semaphore_mem>>)
    %broadcast_in_dim3A = arith.constant 0.000000e+00 : f32
    %broadcast_in_dim3A_14 = vector.broadcast %broadcast_in_dim3A : f32 to vector<16xf32>
    %scan3A = arith.constant 0 : i32
    %scan3A_15 = arith.constant 7 : i32
    %scan3A_16 = arith.addi %scan3A, %scan3A_15 : i32
    %scan3A_17 = arith.constant 1 : i32
    %scan3A_18:2 = scf.for %scan3A_24 = %scan3A to %scan3A_16 step %scan3A_17 iter_args(%scan3A_25 = %broadcast_in_dim3A_14, %scan3A_26 = %broadcast_in_dim3A_14) -> (vector<16xf32>, vector<16xf32>)  : i32 {
      %mul3A_27 = arith.constant 2 : i32
      %mul3A_28 = arith.muli %mul3A_27, %scan3A_24 : i32
      %mul3A_29 = arith.constant 1024 : i32
      %mul3A_30 = arith.muli %mul3A_28, %mul3A_29 : i32
      %add3A_31 = arith.addi %mul3A_2, %mul3A_30 : i32
      %dma_wait3A = arith.constant 0 : i32
      %dma_wait3A_32 = tpu.memref_slice %arg2[%dma_wait3A, %add3A_31] : memref<16x1048576xf32, #tpu.memory_space<hbm>> -> memref<16x1024xf32, #tpu.memory_space<hbm>>
      %dma_wait3A_33 = arith.constant 0 : i32
      %dma_wait3A_34 = tpu.memref_slice %arg2[%dma_wait3A_33, %add3A_31] : memref<16x1048576xf32, #tpu.memory_space<hbm>> -> memref<16x1024xf32, #tpu.memory_space<hbm>>
      tpu.wait_dma2 semaphore(%arg13 : memref<!tpu.dma_semaphore, #tpu.memory_space<semaphore_mem>>) src(%dma_wait3A_34 : memref<16x1024xf32, #tpu.memory_space<hbm>>) dst(%arg6 : memref<16x1024xf32, #tpu.memory_space<vmem>>)
      %dma_wait3A_35 = arith.constant 0 : i32
      %dma_wait3A_36 = tpu.memref_slice %arg3[%dma_wait3A_35, %add3A_31] : memref<16x1048576xf32, #tpu.memory_space<hbm>> -> memref<16x1024xf32, #tpu.memory_space<hbm>>
      %dma_wait3A_37 = arith.constant 0 : i32
      %dma_wait3A_38 = tpu.memref_slice %arg3[%dma_wait3A_37, %add3A_31] : memref<16x1048576xf32, #tpu.memory_space<hbm>> -> memref<16x1024xf32, #tpu.memory_space<hbm>>
      tpu.wait_dma2 semaphore(%arg13 : memref<!tpu.dma_semaphore, #tpu.memory_space<semaphore_mem>>) src(%dma_wait3A_38 : memref<16x1024xf32, #tpu.memory_space<hbm>>) dst(%arg7 : memref<16x1024xf32, #tpu.memory_space<vmem>>)
      %dma_wait3A_39 = tpu.memref_slice %arg4[%add3A_31] : memref<1048576xi32, #tpu.memory_space<hbm>> -> memref<1024xi32, #tpu.memory_space<hbm>>
      %dma_wait3A_40 = tpu.memref_slice %arg4[%add3A_31] : memref<1048576xi32, #tpu.memory_space<hbm>> -> memref<1024xi32, #tpu.memory_space<hbm>>
      tpu.wait_dma2 semaphore(%arg13 : memref<!tpu.dma_semaphore, #tpu.memory_space<semaphore_mem>>) src(%dma_wait3A_40 : memref<1024xi32, #tpu.memory_space<hbm>>) dst(%arg8 : memref<1024xi32, #tpu.memory_space<vmem>>)
      %add3A_41 = arith.constant 1 : i32
      %add3A_42 = arith.addi %mul3A_28, %add3A_41 : i32
      %mul3A_43 = arith.constant 1024 : i32
      %mul3A_44 = arith.muli %add3A_42, %mul3A_43 : i32
      %add3A_45 = arith.addi %mul3A_2, %mul3A_44 : i32
      %dma_start3A_46 = arith.constant 0 : i32
      %dma_start3A_47 = tpu.memref_slice %arg2[%dma_start3A_46, %add3A_45] : memref<16x1048576xf32, #tpu.memory_space<hbm>> -> memref<16x1024xf32, #tpu.memory_space<hbm>>
      %dma_start3A_48 = arith.constant 0 : i32
      %dma_start3A_49 = tpu.memref_slice %arg2[%dma_start3A_48, %add3A_45] : memref<16x1048576xf32, #tpu.memory_space<hbm>> -> memref<16x1024xf32, #tpu.memory_space<hbm>>
      tpu.enqueue_dma source(%dma_start3A_49 : memref<16x1024xf32, #tpu.memory_space<hbm>>) target(%arg9 : memref<16x1024xf32, #tpu.memory_space<vmem>>) target_semaphore(%arg14 : memref<!tpu.dma_semaphore, #tpu.memory_space<semaphore_mem>>)
      %dma_start3A_50 = arith.constant 0 : i32
      %dma_start3A_51 = tpu.memref_slice %arg3[%dma_start3A_50, %add3A_45] : memref<16x1048576xf32, #tpu.memory_space<hbm>> -> memref<16x1024xf32, #tpu.memory_space<hbm>>
      %dma_start3A_52 = arith.constant 0 : i32
      %dma_start3A_53 = tpu.memref_slice %arg3[%dma_start3A_52, %add3A_45] : memref<16x1048576xf32, #tpu.memory_space<hbm>> -> memref<16x1024xf32, #tpu.memory_space<hbm>>
      tpu.enqueue_dma source(%dma_start3A_53 : memref<16x1024xf32, #tpu.memory_space<hbm>>) target(%arg10 : memref<16x1024xf32, #tpu.memory_space<vmem>>) target_semaphore(%arg14 : memref<!tpu.dma_semaphore, #tpu.memory_space<semaphore_mem>>)
      %dma_start3A_54 = tpu.memref_slice %arg4[%add3A_45] : memref<1048576xi32, #tpu.memory_space<hbm>> -> memref<1024xi32, #tpu.memory_space<hbm>>
      %dma_start3A_55 = tpu.memref_slice %arg4[%add3A_45] : memref<1048576xi32, #tpu.memory_space<hbm>> -> memref<1024xi32, #tpu.memory_space<hbm>>
      tpu.enqueue_dma source(%dma_start3A_55 : memref<1024xi32, #tpu.memory_space<hbm>>) target(%arg11 : memref<1024xi32, #tpu.memory_space<vmem>>) target_semaphore(%arg14 : memref<!tpu.dma_semaphore, #tpu.memory_space<semaphore_mem>>)
      %scan3A_56 = arith.constant 0 : i32
      %scan3A_57 = arith.constant 64 : i32
      %scan3A_58 = arith.addi %scan3A_56, %scan3A_57 : i32
      %scan3A_59 = arith.constant 1 : i32
      %scan3A_60:2 = scf.for %scan3A_87 = %scan3A_56 to %scan3A_58 step %scan3A_59 iter_args(%scan3A_88 = %scan3A_25, %scan3A_89 = %scan3A_26) -> (vector<16xf32>, vector<16xf32>)  : i32 {
        %mul3A_90 = arith.constant 16 : i32
        %mul3A_91 = arith.muli %scan3A_87, %mul3A_90 : i32
        %get3A = arith.index_cast %mul3A_91 : i32 to index
        %get3A_92 = tpu.vector_load %arg8[%get3A] {strides = array<i32>} : memref<1024xi32, #tpu.memory_space<vmem>>, vector<16xi32>,
        %get3A_93 = vector.shape_cast %get3A_92 : vector<16xi32> to vector<16xi32>
        %convert_element_type3A_94 = arith.sitofp %get3A_93 : vector<16xi32> to vector<16xf32>
        %sub3A = arith.constant 2.000000e+00 : f32
        %sub3A_95 = vector.broadcast %sub3A : f32 to vector<16xf32>
        %sub3A_96 = arith.subf %sub3A_95, %convert_element_type3A_94 : vector<16xf32>
        %mul3A_97 = arith.mulf %convert_element_type3A_94, %sub3A_96 : vector<16xf32>
        %sub3A_98 = arith.constant 1.000000e+00 : f32
        %sub3A_99 = vector.broadcast %sub3A_98 : f32 to vector<16xf32>
        %sub3A_100 = arith.subf %convert_element_type3A_94, %sub3A_99 : vector<16xf32>
        %mul3A_101 = arith.mulf %convert_element_type3A_94, %sub3A_100 : vector<16xf32>
        %mul3A_102 = arith.constant 5.000000e-01 : f32
        %mul3A_103 = vector.broadcast %mul3A_102 : f32 to vector<16xf32>
        %mul3A_104 = arith.mulf %mul3A_101, %mul3A_103 : vector<16xf32>
        %get3A_105 = arith.constant 0 : i32
        %get3A_106 = arith.index_cast %get3A_105 : i32 to index
        %get3A_107 = arith.index_cast %mul3A_91 : i32 to index
        %get3A_108 = tpu.vector_load %arg6[%get3A_106, %get3A_107] {strides = array<i32>} : memref<16x1024xf32, #tpu.memory_space<vmem>>, vector<1x16xf32>,
        %get3A_109 = vector.shape_cast %get3A_108 : vector<1x16xf32> to vector<16xf32>
        %get3A_110 = arith.constant 0 : i32
        %get3A_111 = arith.index_cast %get3A_110 : i32 to index
        %get3A_112 = arith.index_cast %mul3A_91 : i32 to index
        %get3A_113 = tpu.vector_load %arg7[%get3A_111, %get3A_112] {strides = array<i32>} : memref<16x1024xf32, #tpu.memory_space<vmem>>, vector<1x16xf32>,
        %get3A_114 = vector.shape_cast %get3A_113 : vector<1x16xf32> to vector<16xf32>
        %sub3A_115 = arith.subf %get3A_109, %get3A_114 : vector<16xf32>
        %mul3A_116 = arith.mulf %get3A_114, %sub3A_115 : vector<16xf32>
        %mul3A_117 = arith.mulf %mul3A_116, %mul3A_116 : vector<16xf32>
        %mul3A_118 = arith.mulf %mul3A_97, %mul3A_117 : vector<16xf32>
        %add3A_119 = arith.addf %scan3A_88, %mul3A_118 : vector<16xf32>
        %mul3A_120 = arith.mulf %sub3A_115, %sub3A_115 : vector<16xf32>
        %mul3A_121 = arith.mulf %mul3A_104, %mul3A_120 : vector<16xf32>
        %add3A_122 = arith.addf %scan3A_89, %mul3A_121 : vector<16xf32>
        %get3A_123 = arith.constant 1 : i32
        %get3A_124 = arith.index_cast %get3A_123 : i32 to index
        %get3A_125 = arith.index_cast %mul3A_91 : i32 to index
        %get3A_126 = tpu.vector_load %arg6[%get3A_124, %get3A_125] {strides = array<i32>} : memref<16x1024xf32, #tpu.memory_space<vmem>>, vector<1x16xf32>,
        %get3A_127 = vector.shape_cast %get3A_126 : vector<1x16xf32> to vector<16xf32>
        %get3A_128 = arith.constant 1 : i32
        %get3A_129 = arith.index_cast %get3A_128 : i32 to index
        %get3A_130 = arith.index_cast %mul3A_91 : i32 to index
        %get3A_131 = tpu.vector_load %arg7[%get3A_129, %get3A_130] {strides = array<i32>} : memref<16x1024xf32, #tpu.memory_space<vmem>>, vector<1x16xf32>,
        %get3A_132 = vector.shape_cast %get3A_131 : vector<1x16xf32> to vector<16xf32>
        %sub3A_133 = arith.subf %get3A_127, %get3A_132 : vector<16xf32>
        %mul3A_134 = arith.mulf %get3A_132, %sub3A_133 : vector<16xf32>
        %mul3A_135 = arith.mulf %mul3A_134, %mul3A_134 : vector<16xf32>
        %mul3A_136 = arith.mulf %mul3A_97, %mul3A_135 : vector<16xf32>
        %add3A_137 = arith.addf %add3A_119, %mul3A_136 : vector<16xf32>
        %mul3A_138 = arith.mulf %sub3A_133, %sub3A_133 : vector<16xf32>
        %mul3A_139 = arith.mulf %mul3A_104, %mul3A_138 : vector<16xf32>
        %add3A_140 = arith.addf %add3A_122, %mul3A_139 : vector<16xf32>
        %get3A_141 = arith.constant 2 : i32
        %get3A_142 = arith.index_cast %get3A_141 : i32 to index
        %get3A_143 = arith.index_cast %mul3A_91 : i32 to index
        %get3A_144 = tpu.vector_load %arg6[%get3A_142, %get3A_143] {strides = array<i32>} : memref<16x1024xf32, #tpu.memory_space<vmem>>, vector<1x16xf32>,
        %get3A_145 = vector.shape_cast %get3A_144 : vector<1x16xf32> to vector<16xf32>
        %get3A_146 = arith.constant 2 : i32
        %get3A_147 = arith.index_cast %get3A_146 : i32 to index
        %get3A_148 = arith.index_cast %mul3A_91 : i32 to index
        %get3A_149 = tpu.vector_load %arg7[%get3A_147, %get3A_148] {strides = array<i32>} : memref<16x1024xf32, #tpu.memory_space<vmem>>, vector<1x16xf32>,
        %get3A_150 = vector.shape_cast %get3A_149 : vector<1x16xf32> to vector<16xf32>
        %sub3A_151 = arith.subf %get3A_145, %get3A_150 : vector<16xf32>
        %mul3A_152 = arith.mulf %get3A_150, %sub3A_151 : vector<16xf32>
        %mul3A_153 = arith.mulf %mul3A_152, %mul3A_152 : vector<16xf32>
        %mul3A_154 = arith.mulf %mul3A_97, %mul3A_153 : vector<16xf32>
        %add3A_155 = arith.addf %add3A_137, %mul3A_154 : vector<16xf32>
        %mul3A_156 = arith.mulf %sub3A_151, %sub3A_151 : vector<16xf32>
        %mul3A_157 = arith.mulf %mul3A_104, %mul3A_156 : vector<16xf32>
        %add3A_158 = arith.addf %add3A_140, %mul3A_157 : vector<16xf32>
        %get3A_159 = arith.constant 3 : i32
        %get3A_160 = arith.index_cast %get3A_159 : i32 to index
        %get3A_161 = arith.index_cast %mul3A_91 : i32 to index
        %get3A_162 = tpu.vector_load %arg6[%get3A_160, %get3A_161] {strides = array<i32>} : memref<16x1024xf32, #tpu.memory_space<vmem>>, vector<1x16xf32>,
        %get3A_163 = vector.shape_cast %get3A_162 : vector<1x16xf32> to vector<16xf32>
        %get3A_164 = arith.constant 3 : i32
        %get3A_165 = arith.index_cast %get3A_164 : i32 to index
        %get3A_166 = arith.index_cast %mul3A_91 : i32 to index
        %get3A_167 = tpu.vector_load %arg7[%get3A_165, %get3A_166] {strides = array<i32>} : memref<16x1024xf32, #tpu.memory_space<vmem>>, vector<1x16xf32>,
        %get3A_168 = vector.shape_cast %get3A_167 : vector<1x16xf32> to vector<16xf32>
        %sub3A_169 = arith.subf %get3A_163, %get3A_168 : vector<16xf32>
        %mul3A_170 = arith.mulf %get3A_168, %sub3A_169 : vector<16xf32>
        %mul3A_171 = arith.mulf %mul3A_170, %mul3A_170 : vector<16xf32>
        %mul3A_172 = arith.mulf %mul3A_97, %mul3A_171 : vector<16xf32>
        %add3A_173 = arith.addf %add3A_155, %mul3A_172 : vector<16xf32>
        %mul3A_174 = arith.mulf %sub3A_169, %sub3A_169 : vector<16xf32>
        %mul3A_175 = arith.mulf %mul3A_104, %mul3A_174 : vector<16xf32>
        %add3A_176 = arith.addf %add3A_158, %mul3A_175 : vector<16xf32>
        %get3A_177 = arith.constant 4 : i32
        %get3A_178 = arith.index_cast %get3A_177 : i32 to index
        %get3A_179 = arith.index_cast %mul3A_91 : i32 to index
        %get3A_180 = tpu.vector_load %arg6[%get3A_178, %get3A_179] {strides = array<i32>} : memref<16x1024xf32, #tpu.memory_space<vmem>>, vector<1x16xf32>,
        %get3A_181 = vector.shape_cast %get3A_180 : vector<1x16xf32> to vector<16xf32>
        %get3A_182 = arith.constant 4 : i32
        %get3A_183 = arith.index_cast %get3A_182 : i32 to index
        %get3A_184 = arith.index_cast %mul3A_91 : i32 to index
        %get3A_185 = tpu.vector_load %arg7[%get3A_183, %get3A_184] {strides = array<i32>} : memref<16x1024xf32, #tpu.memory_space<vmem>>, vector<1x16xf32>,
        %get3A_186 = vector.shape_cast %get3A_185 : vector<1x16xf32> to vector<16xf32>
        %sub3A_187 = arith.subf %get3A_181, %get3A_186 : vector<16xf32>
        %mul3A_188 = arith.mulf %get3A_186, %sub3A_187 : vector<16xf32>
        %mul3A_189 = arith.mulf %mul3A_188, %mul3A_188 : vector<16xf32>
        %mul3A_190 = arith.mulf %mul3A_97, %mul3A_189 : vector<16xf32>
        %add3A_191 = arith.addf %add3A_173, %mul3A_190 : vector<16xf32>
        %mul3A_192 = arith.mulf %sub3A_187, %sub3A_187 : vector<16xf32>
        %mul3A_193 = arith.mulf %mul3A_104, %mul3A_192 : vector<16xf32>
        %add3A_194 = arith.addf %add3A_176, %mul3A_193 : vector<16xf32>
        %get3A_195 = arith.constant 5 : i32
        %get3A_196 = arith.index_cast %get3A_195 : i32 to index
        %get3A_197 = arith.index_cast %mul3A_91 : i32 to index
        %get3A_198 = tpu.vector_load %arg6[%get3A_196, %get3A_197] {strides = array<i32>} : memref<16x1024xf32, #tpu.memory_space<vmem>>, vector<1x16xf32>,
        %get3A_199 = vector.shape_cast %get3A_198 : vector<1x16xf32> to vector<16xf32>
        %get3A_200 = arith.constant 5 : i32
        %get3A_201 = arith.index_cast %get3A_200 : i32 to index
        %get3A_202 = arith.index_cast %mul3A_91 : i32 to index
        %get3A_203 = tpu.vector_load %arg7[%get3A_201, %get3A_202] {strides = array<i32>} : memref<16x1024xf32, #tpu.memory_space<vmem>>, vector<1x16xf32>,
        %get3A_204 = vector.shape_cast %get3A_203 : vector<1x16xf32> to vector<16xf32>
        %sub3A_205 = arith.subf %get3A_199, %get3A_204 : vector<16xf32>
        %mul3A_206 = arith.mulf %get3A_204, %sub3A_205 : vector<16xf32>
        %mul3A_207 = arith.mulf %mul3A_206, %mul3A_206 : vector<16xf32>
        %mul3A_208 = arith.mulf %mul3A_97, %mul3A_207 : vector<16xf32>
        %add3A_209 = arith.addf %add3A_191, %mul3A_208 : vector<16xf32>
        %mul3A_210 = arith.mulf %sub3A_205, %sub3A_205 : vector<16xf32>
        %mul3A_211 = arith.mulf %mul3A_104, %mul3A_210 : vector<16xf32>
        %add3A_212 = arith.addf %add3A_194, %mul3A_211 : vector<16xf32>
        %get3A_213 = arith.constant 6 : i32
        %get3A_214 = arith.index_cast %get3A_213 : i32 to index
        %get3A_215 = arith.index_cast %mul3A_91 : i32 to index
        %get3A_216 = tpu.vector_load %arg6[%get3A_214, %get3A_215] {strides = array<i32>} : memref<16x1024xf32, #tpu.memory_space<vmem>>, vector<1x16xf32>,
        %get3A_217 = vector.shape_cast %get3A_216 : vector<1x16xf32> to vector<16xf32>
        %get3A_218 = arith.constant 6 : i32
        %get3A_219 = arith.index_cast %get3A_218 : i32 to index
        %get3A_220 = arith.index_cast %mul3A_91 : i32 to index
        %get3A_221 = tpu.vector_load %arg7[%get3A_219, %get3A_220] {strides = array<i32>} : memref<16x1024xf32, #tpu.memory_space<vmem>>, vector<1x16xf32>,
        %get3A_222 = vector.shape_cast %get3A_221 : vector<1x16xf32> to vector<16xf32>
        %sub3A_223 = arith.subf %get3A_217, %get3A_222 : vector<16xf32>
        %mul3A_224 = arith.mulf %get3A_222, %sub3A_223 : vector<16xf32>
        %mul3A_225 = arith.mulf %mul3A_224, %mul3A_224 : vector<16xf32>
        %mul3A_226 = arith.mulf %mul3A_97, %mul3A_225 : vector<16xf32>
        %add3A_227 = arith.addf %add3A_209, %mul3A_226 : vector<16xf32>
        %mul3A_228 = arith.mulf %sub3A_223, %sub3A_223 : vector<16xf32>
        %mul3A_229 = arith.mulf %mul3A_104, %mul3A_228 : vector<16xf32>
        %add3A_230 = arith.addf %add3A_212, %mul3A_229 : vector<16xf32>
        %get3A_231 = arith.constant 7 : i32
        %get3A_232 = arith.index_cast %get3A_231 : i32 to index
        %get3A_233 = arith.index_cast %mul3A_91 : i32 to index
        %get3A_234 = tpu.vector_load %arg6[%get3A_232, %get3A_233] {strides = array<i32>} : memref<16x1024xf32, #tpu.memory_space<vmem>>, vector<1x16xf32>,
        %get3A_235 = vector.shape_cast %get3A_234 : vector<1x16xf32> to vector<16xf32>
        %get3A_236 = arith.constant 7 : i32
        %get3A_237 = arith.index_cast %get3A_236 : i32 to index
        %get3A_238 = arith.index_cast %mul3A_91 : i32 to index
        %get3A_239 = tpu.vector_load %arg7[%get3A_237, %get3A_238] {strides = array<i32>} : memref<16x1024xf32, #tpu.memory_space<vmem>>, vector<1x16xf32>,
        %get3A_240 = vector.shape_cast %get3A_239 : vector<1x16xf32> to vector<16xf32>
        %sub3A_241 = arith.subf %get3A_235, %get3A_240 : vector<16xf32>
        %mul3A_242 = arith.mulf %get3A_240, %sub3A_241 : vector<16xf32>
        %mul3A_243 = arith.mulf %mul3A_242, %mul3A_242 : vector<16xf32>
        %mul3A_244 = arith.mulf %mul3A_97, %mul3A_243 : vector<16xf32>
        %add3A_245 = arith.addf %add3A_227, %mul3A_244 : vector<16xf32>
        %mul3A_246 = arith.mulf %sub3A_241, %sub3A_241 : vector<16xf32>
        %mul3A_247 = arith.mulf %mul3A_104, %mul3A_246 : vector<16xf32>
        %add3A_248 = arith.addf %add3A_230, %mul3A_247 : vector<16xf32>
        %get3A_249 = arith.constant 8 : i32
        %get3A_250 = arith.index_cast %get3A_249 : i32 to index
        %get3A_251 = arith.index_cast %mul3A_91 : i32 to index
        %get3A_252 = tpu.vector_load %arg6[%get3A_250, %get3A_251] {strides = array<i32>} : memref<16x1024xf32, #tpu.memory_space<vmem>>, vector<1x16xf32>,
        %get3A_253 = vector.shape_cast %get3A_252 : vector<1x16xf32> to vector<16xf32>
        %get3A_254 = arith.constant 8 : i32
        %get3A_255 = arith.index_cast %get3A_254 : i32 to index
        %get3A_256 = arith.index_cast %mul3A_91 : i32 to index
        %get3A_257 = tpu.vector_load %arg7[%get3A_255, %get3A_256] {strides = array<i32>} : memref<16x1024xf32, #tpu.memory_space<vmem>>, vector<1x16xf32>,
        %get3A_258 = vector.shape_cast %get3A_257 : vector<1x16xf32> to vector<16xf32>
        %sub3A_259 = arith.subf %get3A_253, %get3A_258 : vector<16xf32>
        %mul3A_260 = arith.mulf %get3A_258, %sub3A_259 : vector<16xf32>
        %mul3A_261 = arith.mulf %mul3A_260, %mul3A_260 : vector<16xf32>
        %mul3A_262 = arith.mulf %mul3A_97, %mul3A_261 : vector<16xf32>
        %add3A_263 = arith.addf %add3A_245, %mul3A_262 : vector<16xf32>
        %mul3A_264 = arith.mulf %sub3A_259, %sub3A_259 : vector<16xf32>
        %mul3A_265 = arith.mulf %mul3A_104, %mul3A_264 : vector<16xf32>
        %add3A_266 = arith.addf %add3A_248, %mul3A_265 : vector<16xf32>
        %get3A_267 = arith.constant 9 : i32
        %get3A_268 = arith.index_cast %get3A_267 : i32 to index
        %get3A_269 = arith.index_cast %mul3A_91 : i32 to index
        %get3A_270 = tpu.vector_load %arg6[%get3A_268, %get3A_269] {strides = array<i32>} : memref<16x1024xf32, #tpu.memory_space<vmem>>, vector<1x16xf32>,
        %get3A_271 = vector.shape_cast %get3A_270 : vector<1x16xf32> to vector<16xf32>
        %get3A_272 = arith.constant 9 : i32
        %get3A_273 = arith.index_cast %get3A_272 : i32 to index
        %get3A_274 = arith.index_cast %mul3A_91 : i32 to index
        %get3A_275 = tpu.vector_load %arg7[%get3A_273, %get3A_274] {strides = array<i32>} : memref<16x1024xf32, #tpu.memory_space<vmem>>, vector<1x16xf32>,
        %get3A_276 = vector.shape_cast %get3A_275 : vector<1x16xf32> to vector<16xf32>
        %sub3A_277 = arith.subf %get3A_271, %get3A_276 : vector<16xf32>
        %mul3A_278 = arith.mulf %get3A_276, %sub3A_277 : vector<16xf32>
        %mul3A_279 = arith.mulf %mul3A_278, %mul3A_278 : vector<16xf32>
        %mul3A_280 = arith.mulf %mul3A_97, %mul3A_279 : vector<16xf32>
        %add3A_281 = arith.addf %add3A_263, %mul3A_280 : vector<16xf32>
        %mul3A_282 = arith.mulf %sub3A_277, %sub3A_277 : vector<16xf32>
        %mul3A_283 = arith.mulf %mul3A_104, %mul3A_282 : vector<16xf32>
        %add3A_284 = arith.addf %add3A_266, %mul3A_283 : vector<16xf32>
        %get3A_285 = arith.constant 10 : i32
        %get3A_286 = arith.index_cast %get3A_285 : i32 to index
        %get3A_287 = arith.index_cast %mul3A_91 : i32 to index
        %get3A_288 = tpu.vector_load %arg6[%get3A_286, %get3A_287] {strides = array<i32>} : memref<16x1024xf32, #tpu.memory_space<vmem>>, vector<1x16xf32>,
        %get3A_289 = vector.shape_cast %get3A_288 : vector<1x16xf32> to vector<16xf32>
        %get3A_290 = arith.constant 10 : i32
        %get3A_291 = arith.index_cast %get3A_290 : i32 to index
        %get3A_292 = arith.index_cast %mul3A_91 : i32 to index
        %get3A_293 = tpu.vector_load %arg7[%get3A_291, %get3A_292] {strides = array<i32>} : memref<16x1024xf32, #tpu.memory_space<vmem>>, vector<1x16xf32>,
        %get3A_294 = vector.shape_cast %get3A_293 : vector<1x16xf32> to vector<16xf32>
        %sub3A_295 = arith.subf %get3A_289, %get3A_294 : vector<16xf32>
        %mul3A_296 = arith.mulf %get3A_294, %sub3A_295 : vector<16xf32>
        %mul3A_297 = arith.mulf %mul3A_296, %mul3A_296 : vector<16xf32>
        %mul3A_298 = arith.mulf %mul3A_97, %mul3A_297 : vector<16xf32>
        %add3A_299 = arith.addf %add3A_281, %mul3A_298 : vector<16xf32>
        %mul3A_300 = arith.mulf %sub3A_295, %sub3A_295 : vector<16xf32>
        %mul3A_301 = arith.mulf %mul3A_104, %mul3A_300 : vector<16xf32>
        %add3A_302 = arith.addf %add3A_284, %mul3A_301 : vector<16xf32>
        %get3A_303 = arith.constant 11 : i32
        %get3A_304 = arith.index_cast %get3A_303 : i32 to index
        %get3A_305 = arith.index_cast %mul3A_91 : i32 to index
        %get3A_306 = tpu.vector_load %arg6[%get3A_304, %get3A_305] {strides = array<i32>} : memref<16x1024xf32, #tpu.memory_space<vmem>>, vector<1x16xf32>,
        %get3A_307 = vector.shape_cast %get3A_306 : vector<1x16xf32> to vector<16xf32>
        %get3A_308 = arith.constant 11 : i32
        %get3A_309 = arith.index_cast %get3A_308 : i32 to index
        %get3A_310 = arith.index_cast %mul3A_91 : i32 to index
        %get3A_311 = tpu.vector_load %arg7[%get3A_309, %get3A_310] {strides = array<i32>} : memref<16x1024xf32, #tpu.memory_space<vmem>>, vector<1x16xf32>,
        %get3A_312 = vector.shape_cast %get3A_311 : vector<1x16xf32> to vector<16xf32>
        %sub3A_313 = arith.subf %get3A_307, %get3A_312 : vector<16xf32>
        %mul3A_314 = arith.mulf %get3A_312, %sub3A_313 : vector<16xf32>
        %mul3A_315 = arith.mulf %mul3A_314, %mul3A_314 : vector<16xf32>
        %mul3A_316 = arith.mulf %mul3A_97, %mul3A_315 : vector<16xf32>
        %add3A_317 = arith.addf %add3A_299, %mul3A_316 : vector<16xf32>
        %mul3A_318 = arith.mulf %sub3A_313, %sub3A_313 : vector<16xf32>
        %mul3A_319 = arith.mulf %mul3A_104, %mul3A_318 : vector<16xf32>
        %add3A_320 = arith.addf %add3A_302, %mul3A_319 : vector<16xf32>
        %get3A_321 = arith.constant 12 : i32
        %get3A_322 = arith.index_cast %get3A_321 : i32 to index
        %get3A_323 = arith.index_cast %mul3A_91 : i32 to index
        %get3A_324 = tpu.vector_load %arg6[%get3A_322, %get3A_323] {strides = array<i32>} : memref<16x1024xf32, #tpu.memory_space<vmem>>, vector<1x16xf32>,
        %get3A_325 = vector.shape_cast %get3A_324 : vector<1x16xf32> to vector<16xf32>
        %get3A_326 = arith.constant 12 : i32
        %get3A_327 = arith.index_cast %get3A_326 : i32 to index
        %get3A_328 = arith.index_cast %mul3A_91 : i32 to index
        %get3A_329 = tpu.vector_load %arg7[%get3A_327, %get3A_328] {strides = array<i32>} : memref<16x1024xf32, #tpu.memory_space<vmem>>, vector<1x16xf32>,
        %get3A_330 = vector.shape_cast %get3A_329 : vector<1x16xf32> to vector<16xf32>
        %sub3A_331 = arith.subf %get3A_325, %get3A_330 : vector<16xf32>
        %mul3A_332 = arith.mulf %get3A_330, %sub3A_331 : vector<16xf32>
        %mul3A_333 = arith.mulf %mul3A_332, %mul3A_332 : vector<16xf32>
        %mul3A_334 = arith.mulf %mul3A_97, %mul3A_333 : vector<16xf32>
        %add3A_335 = arith.addf %add3A_317, %mul3A_334 : vector<16xf32>
        %mul3A_336 = arith.mulf %sub3A_331, %sub3A_331 : vector<16xf32>
        %mul3A_337 = arith.mulf %mul3A_104, %mul3A_336 : vector<16xf32>
        %add3A_338 = arith.addf %add3A_320, %mul3A_337 : vector<16xf32>
        %get3A_339 = arith.constant 13 : i32
        %get3A_340 = arith.index_cast %get3A_339 : i32 to index
        %get3A_341 = arith.index_cast %mul3A_91 : i32 to index
        %get3A_342 = tpu.vector_load %arg6[%get3A_340, %get3A_341] {strides = array<i32>} : memref<16x1024xf32, #tpu.memory_space<vmem>>, vector<1x16xf32>,
        %get3A_343 = vector.shape_cast %get3A_342 : vector<1x16xf32> to vector<16xf32>
        %get3A_344 = arith.constant 13 : i32
        %get3A_345 = arith.index_cast %get3A_344 : i32 to index
        %get3A_346 = arith.index_cast %mul3A_91 : i32 to index
        %get3A_347 = tpu.vector_load %arg7[%get3A_345, %get3A_346] {strides = array<i32>} : memref<16x1024xf32, #tpu.memory_space<vmem>>, vector<1x16xf32>,
        %get3A_348 = vector.shape_cast %get3A_347 : vector<1x16xf32> to vector<16xf32>
        %sub3A_349 = arith.subf %get3A_343, %get3A_348 : vector<16xf32>
        %mul3A_350 = arith.mulf %get3A_348, %sub3A_349 : vector<16xf32>
        %mul3A_351 = arith.mulf %mul3A_350, %mul3A_350 : vector<16xf32>
        %mul3A_352 = arith.mulf %mul3A_97, %mul3A_351 : vector<16xf32>
        %add3A_353 = arith.addf %add3A_335, %mul3A_352 : vector<16xf32>
        %mul3A_354 = arith.mulf %sub3A_349, %sub3A_349 : vector<16xf32>
        %mul3A_355 = arith.mulf %mul3A_104, %mul3A_354 : vector<16xf32>
        %add3A_356 = arith.addf %add3A_338, %mul3A_355 : vector<16xf32>
        %get3A_357 = arith.constant 14 : i32
        %get3A_358 = arith.index_cast %get3A_357 : i32 to index
        %get3A_359 = arith.index_cast %mul3A_91 : i32 to index
        %get3A_360 = tpu.vector_load %arg6[%get3A_358, %get3A_359] {strides = array<i32>} : memref<16x1024xf32, #tpu.memory_space<vmem>>, vector<1x16xf32>,
        %get3A_361 = vector.shape_cast %get3A_360 : vector<1x16xf32> to vector<16xf32>
        %get3A_362 = arith.constant 14 : i32
        %get3A_363 = arith.index_cast %get3A_362 : i32 to index
        %get3A_364 = arith.index_cast %mul3A_91 : i32 to index
        %get3A_365 = tpu.vector_load %arg7[%get3A_363, %get3A_364] {strides = array<i32>} : memref<16x1024xf32, #tpu.memory_space<vmem>>, vector<1x16xf32>,
        %get3A_366 = vector.shape_cast %get3A_365 : vector<1x16xf32> to vector<16xf32>
        %sub3A_367 = arith.subf %get3A_361, %get3A_366 : vector<16xf32>
        %mul3A_368 = arith.mulf %get3A_366, %sub3A_367 : vector<16xf32>
        %mul3A_369 = arith.mulf %mul3A_368, %mul3A_368 : vector<16xf32>
        %mul3A_370 = arith.mulf %mul3A_97, %mul3A_369 : vector<16xf32>
        %add3A_371 = arith.addf %add3A_353, %mul3A_370 : vector<16xf32>
        %mul3A_372 = arith.mulf %sub3A_367, %sub3A_367 : vector<16xf32>
        %mul3A_373 = arith.mulf %mul3A_104, %mul3A_372 : vector<16xf32>
        %add3A_374 = arith.addf %add3A_356, %mul3A_373 : vector<16xf32>
        %get3A_375 = arith.constant 15 : i32
        %get3A_376 = arith.index_cast %get3A_375 : i32 to index
        %get3A_377 = arith.index_cast %mul3A_91 : i32 to index
        %get3A_378 = tpu.vector_load %arg6[%get3A_376, %get3A_377] {strides = array<i32>} : memref<16x1024xf32, #tpu.memory_space<vmem>>, vector<1x16xf32>,
        %get3A_379 = vector.shape_cast %get3A_378 : vector<1x16xf32> to vector<16xf32>
        %get3A_380 = arith.constant 15 : i32
        %get3A_381 = arith.index_cast %get3A_380 : i32 to index
        %get3A_382 = arith.index_cast %mul3A_91 : i32 to index
        %get3A_383 = tpu.vector_load %arg7[%get3A_381, %get3A_382] {strides = array<i32>} : memref<16x1024xf32, #tpu.memory_space<vmem>>, vector<1x16xf32>,
        %get3A_384 = vector.shape_cast %get3A_383 : vector<1x16xf32> to vector<16xf32>
        %sub3A_385 = arith.subf %get3A_379, %get3A_384 : vector<16xf32>
        %mul3A_386 = arith.mulf %get3A_384, %sub3A_385 : vector<16xf32>
        %mul3A_387 = arith.mulf %mul3A_386, %mul3A_386 : vector<16xf32>
        %mul3A_388 = arith.mulf %mul3A_97, %mul3A_387 : vector<16xf32>
        %add3A_389 = arith.addf %add3A_371, %mul3A_388 : vector<16xf32>
        %mul3A_390 = arith.mulf %sub3A_385, %sub3A_385 : vector<16xf32>
        %mul3A_391 = arith.mulf %mul3A_104, %mul3A_390 : vector<16xf32>
        %add3A_392 = arith.addf %add3A_374, %mul3A_391 : vector<16xf32>
        scf.yield %add3A_389, %add3A_392 : vector<16xf32>, vector<16xf32>
      }
      %scan3A_61 = arith.constant 64 : i32
      %add3A_62 = arith.constant 1 : i32
      %add3A_63 = arith.addi %mul3A_28, %add3A_62 : i32
      %mul3A_64 = arith.constant 1024 : i32
      %mul3A_65 = arith.muli %add3A_63, %mul3A_64 : i32
      %add3A_66 = arith.addi %mul3A_2, %mul3A_65 : i32
      %dma_wait3A_67 = arith.constant 0 : i32
      %dma_wait3A_68 = tpu.memref_slice %arg2[%dma_wait3A_67, %add3A_66] : memref<16x1048576xf32, #tpu.memory_space<hbm>> -> memref<16x1024xf32, #tpu.memory_space<hbm>>
      %dma_wait3A_69 = arith.constant 0 : i32
      %dma_wait3A_70 = tpu.memref_slice %arg2[%dma_wait3A_69, %add3A_66] : memref<16x1048576xf32, #tpu.memory_space<hbm>> -> memref<16x1024xf32, #tpu.memory_space<hbm>>
      tpu.wait_dma2 semaphore(%arg14 : memref<!tpu.dma_semaphore, #tpu.memory_space<semaphore_mem>>) src(%dma_wait3A_70 : memref<16x1024xf32, #tpu.memory_space<hbm>>) dst(%arg9 : memref<16x1024xf32, #tpu.memory_space<vmem>>)
      %dma_wait3A_71 = arith.constant 0 : i32
      %dma_wait3A_72 = tpu.memref_slice %arg3[%dma_wait3A_71, %add3A_66] : memref<16x1048576xf32, #tpu.memory_space<hbm>> -> memref<16x1024xf32, #tpu.memory_space<hbm>>
      %dma_wait3A_73 = arith.constant 0 : i32
      %dma_wait3A_74 = tpu.memref_slice %arg3[%dma_wait3A_73, %add3A_66] : memref<16x1048576xf32, #tpu.memory_space<hbm>> -> memref<16x1024xf32, #tpu.memory_space<hbm>>
      tpu.wait_dma2 semaphore(%arg14 : memref<!tpu.dma_semaphore, #tpu.memory_space<semaphore_mem>>) src(%dma_wait3A_74 : memref<16x1024xf32, #tpu.memory_space<hbm>>) dst(%arg10 : memref<16x1024xf32, #tpu.memory_space<vmem>>)
      %dma_wait3A_75 = tpu.memref_slice %arg4[%add3A_66] : memref<1048576xi32, #tpu.memory_space<hbm>> -> memref<1024xi32, #tpu.memory_space<hbm>>
      %dma_wait3A_76 = tpu.memref_slice %arg4[%add3A_66] : memref<1048576xi32, #tpu.memory_space<hbm>> -> memref<1024xi32, #tpu.memory_space<hbm>>
      tpu.wait_dma2 semaphore(%arg14 : memref<!tpu.dma_semaphore, #tpu.memory_space<semaphore_mem>>) src(%dma_wait3A_76 : memref<1024xi32, #tpu.memory_space<hbm>>) dst(%arg11 : memref<1024xi32, #tpu.memory_space<vmem>>)
      %add3A_77 = arith.constant 2 : i32
      %add3A_78 = arith.addi %mul3A_28, %add3A_77 : i32
      %lt3A = arith.constant 14 : i32
      %lt3A_79 = arith.cmpi slt, %add3A_78, %lt3A : i32
      %convert_element_type3A = arith.extui %lt3A_79 : i1 to i32
      %cond3A = arith.constant 0 : i32
      %cond3A_80 = arith.cmpi ne, %convert_element_type3A, %cond3A : i32
      scf.if %cond3A_80 {
        %add3A_87 = arith.constant 2 : i32
        %add3A_88 = arith.addi %mul3A_28, %add3A_87 : i32
        %mul3A_89 = arith.constant 1024 : i32
        %mul3A_90 = arith.muli %add3A_88, %mul3A_89 : i32
        %add3A_91 = arith.addi %mul3A_2, %mul3A_90 : i32
        %dma_start3A_92 = arith.constant 0 : i32
        %dma_start3A_93 = tpu.memref_slice %arg2[%dma_start3A_92, %add3A_91] : memref<16x1048576xf32, #tpu.memory_space<hbm>> -> memref<16x1024xf32, #tpu.memory_space<hbm>>
        %dma_start3A_94 = arith.constant 0 : i32
        %dma_start3A_95 = tpu.memref_slice %arg2[%dma_start3A_94, %add3A_91] : memref<16x1048576xf32, #tpu.memory_space<hbm>> -> memref<16x1024xf32, #tpu.memory_space<hbm>>
        tpu.enqueue_dma source(%dma_start3A_95 : memref<16x1024xf32, #tpu.memory_space<hbm>>) target(%arg6 : memref<16x1024xf32, #tpu.memory_space<vmem>>) target_semaphore(%arg13 : memref<!tpu.dma_semaphore, #tpu.memory_space<semaphore_mem>>)
        %dma_start3A_96 = arith.constant 0 : i32
        %dma_start3A_97 = tpu.memref_slice %arg3[%dma_start3A_96, %add3A_91] : memref<16x1048576xf32, #tpu.memory_space<hbm>> -> memref<16x1024xf32, #tpu.memory_space<hbm>>
        %dma_start3A_98 = arith.constant 0 : i32
        %dma_start3A_99 = tpu.memref_slice %arg3[%dma_start3A_98, %add3A_91] : memref<16x1048576xf32, #tpu.memory_space<hbm>> -> memref<16x1024xf32, #tpu.memory_space<hbm>>
        tpu.enqueue_dma source(%dma_start3A_99 : memref<16x1024xf32, #tpu.memory_space<hbm>>) target(%arg7 : memref<16x1024xf32, #tpu.memory_space<vmem>>) target_semaphore(%arg13 : memref<!tpu.dma_semaphore, #tpu.memory_space<semaphore_mem>>)
        %dma_start3A_100 = tpu.memref_slice %arg4[%add3A_91] : memref<1048576xi32, #tpu.memory_space<hbm>> -> memref<1024xi32, #tpu.memory_space<hbm>>
        %dma_start3A_101 = tpu.memref_slice %arg4[%add3A_91] : memref<1048576xi32, #tpu.memory_space<hbm>> -> memref<1024xi32, #tpu.memory_space<hbm>>
        tpu.enqueue_dma source(%dma_start3A_101 : memref<1024xi32, #tpu.memory_space<hbm>>) target(%arg8 : memref<1024xi32, #tpu.memory_space<vmem>>) target_semaphore(%arg13 : memref<!tpu.dma_semaphore, #tpu.memory_space<semaphore_mem>>)
      } else {
      }
      %scan3A_81 = arith.constant 0 : i32
      %scan3A_82 = arith.constant 64 : i32
      %scan3A_83 = arith.addi %scan3A_81, %scan3A_82 : i32
      %scan3A_84 = arith.constant 1 : i32
      %scan3A_85:2 = scf.for %scan3A_87 = %scan3A_81 to %scan3A_83 step %scan3A_84 iter_args(%scan3A_88 = %scan3A_60#0, %scan3A_89 = %scan3A_60#1) -> (vector<16xf32>, vector<16xf32>)  : i32 {
        %mul3A_90 = arith.constant 16 : i32
        %mul3A_91 = arith.muli %scan3A_87, %mul3A_90 : i32
        %get3A = arith.index_cast %mul3A_91 : i32 to index
        %get3A_92 = tpu.vector_load %arg11[%get3A] {strides = array<i32>} : memref<1024xi32, #tpu.memory_space<vmem>>, vector<16xi32>,
        %get3A_93 = vector.shape_cast %get3A_92 : vector<16xi32> to vector<16xi32>
        %convert_element_type3A_94 = arith.sitofp %get3A_93 : vector<16xi32> to vector<16xf32>
        %sub3A = arith.constant 2.000000e+00 : f32
        %sub3A_95 = vector.broadcast %sub3A : f32 to vector<16xf32>
        %sub3A_96 = arith.subf %sub3A_95, %convert_element_type3A_94 : vector<16xf32>
        %mul3A_97 = arith.mulf %convert_element_type3A_94, %sub3A_96 : vector<16xf32>
        %sub3A_98 = arith.constant 1.000000e+00 : f32
        %sub3A_99 = vector.broadcast %sub3A_98 : f32 to vector<16xf32>
        %sub3A_100 = arith.subf %convert_element_type3A_94, %sub3A_99 : vector<16xf32>
        %mul3A_101 = arith.mulf %convert_element_type3A_94, %sub3A_100 : vector<16xf32>
        %mul3A_102 = arith.constant 5.000000e-01 : f32
        %mul3A_103 = vector.broadcast %mul3A_102 : f32 to vector<16xf32>
        %mul3A_104 = arith.mulf %mul3A_101, %mul3A_103 : vector<16xf32>
        %get3A_105 = arith.constant 0 : i32
        %get3A_106 = arith.index_cast %get3A_105 : i32 to index
        %get3A_107 = arith.index_cast %mul3A_91 : i32 to index
        %get3A_108 = tpu.vector_load %arg9[%get3A_106, %get3A_107] {strides = array<i32>} : memref<16x1024xf32, #tpu.memory_space<vmem>>, vector<1x16xf32>,
        %get3A_109 = vector.shape_cast %get3A_108 : vector<1x16xf32> to vector<16xf32>
        %get3A_110 = arith.constant 0 : i32
        %get3A_111 = arith.index_cast %get3A_110 : i32 to index
        %get3A_112 = arith.index_cast %mul3A_91 : i32 to index
        %get3A_113 = tpu.vector_load %arg10[%get3A_111, %get3A_112] {strides = array<i32>} : memref<16x1024xf32, #tpu.memory_space<vmem>>, vector<1x16xf32>,
        %get3A_114 = vector.shape_cast %get3A_113 : vector<1x16xf32> to vector<16xf32>
        %sub3A_115 = arith.subf %get3A_109, %get3A_114 : vector<16xf32>
        %mul3A_116 = arith.mulf %get3A_114, %sub3A_115 : vector<16xf32>
        %mul3A_117 = arith.mulf %mul3A_116, %mul3A_116 : vector<16xf32>
        %mul3A_118 = arith.mulf %mul3A_97, %mul3A_117 : vector<16xf32>
        %add3A_119 = arith.addf %scan3A_88, %mul3A_118 : vector<16xf32>
        %mul3A_120 = arith.mulf %sub3A_115, %sub3A_115 : vector<16xf32>
        %mul3A_121 = arith.mulf %mul3A_104, %mul3A_120 : vector<16xf32>
        %add3A_122 = arith.addf %scan3A_89, %mul3A_121 : vector<16xf32>
        %get3A_123 = arith.constant 1 : i32
        %get3A_124 = arith.index_cast %get3A_123 : i32 to index
        %get3A_125 = arith.index_cast %mul3A_91 : i32 to index
        %get3A_126 = tpu.vector_load %arg9[%get3A_124, %get3A_125] {strides = array<i32>} : memref<16x1024xf32, #tpu.memory_space<vmem>>, vector<1x16xf32>,
        %get3A_127 = vector.shape_cast %get3A_126 : vector<1x16xf32> to vector<16xf32>
        %get3A_128 = arith.constant 1 : i32
        %get3A_129 = arith.index_cast %get3A_128 : i32 to index
        %get3A_130 = arith.index_cast %mul3A_91 : i32 to index
        %get3A_131 = tpu.vector_load %arg10[%get3A_129, %get3A_130] {strides = array<i32>} : memref<16x1024xf32, #tpu.memory_space<vmem>>, vector<1x16xf32>,
        %get3A_132 = vector.shape_cast %get3A_131 : vector<1x16xf32> to vector<16xf32>
        %sub3A_133 = arith.subf %get3A_127, %get3A_132 : vector<16xf32>
        %mul3A_134 = arith.mulf %get3A_132, %sub3A_133 : vector<16xf32>
        %mul3A_135 = arith.mulf %mul3A_134, %mul3A_134 : vector<16xf32>
        %mul3A_136 = arith.mulf %mul3A_97, %mul3A_135 : vector<16xf32>
        %add3A_137 = arith.addf %add3A_119, %mul3A_136 : vector<16xf32>
        %mul3A_138 = arith.mulf %sub3A_133, %sub3A_133 : vector<16xf32>
        %mul3A_139 = arith.mulf %mul3A_104, %mul3A_138 : vector<16xf32>
        %add3A_140 = arith.addf %add3A_122, %mul3A_139 : vector<16xf32>
        %get3A_141 = arith.constant 2 : i32
        %get3A_142 = arith.index_cast %get3A_141 : i32 to index
        %get3A_143 = arith.index_cast %mul3A_91 : i32 to index
        %get3A_144 = tpu.vector_load %arg9[%get3A_142, %get3A_143] {strides = array<i32>} : memref<16x1024xf32, #tpu.memory_space<vmem>>, vector<1x16xf32>,
        %get3A_145 = vector.shape_cast %get3A_144 : vector<1x16xf32> to vector<16xf32>
        %get3A_146 = arith.constant 2 : i32
        %get3A_147 = arith.index_cast %get3A_146 : i32 to index
        %get3A_148 = arith.index_cast %mul3A_91 : i32 to index
        %get3A_149 = tpu.vector_load %arg10[%get3A_147, %get3A_148] {strides = array<i32>} : memref<16x1024xf32, #tpu.memory_space<vmem>>, vector<1x16xf32>,
        %get3A_150 = vector.shape_cast %get3A_149 : vector<1x16xf32> to vector<16xf32>
        %sub3A_151 = arith.subf %get3A_145, %get3A_150 : vector<16xf32>
        %mul3A_152 = arith.mulf %get3A_150, %sub3A_151 : vector<16xf32>
        %mul3A_153 = arith.mulf %mul3A_152, %mul3A_152 : vector<16xf32>
        %mul3A_154 = arith.mulf %mul3A_97, %mul3A_153 : vector<16xf32>
        %add3A_155 = arith.addf %add3A_137, %mul3A_154 : vector<16xf32>
        %mul3A_156 = arith.mulf %sub3A_151, %sub3A_151 : vector<16xf32>
        %mul3A_157 = arith.mulf %mul3A_104, %mul3A_156 : vector<16xf32>
        %add3A_158 = arith.addf %add3A_140, %mul3A_157 : vector<16xf32>
        %get3A_159 = arith.constant 3 : i32
        %get3A_160 = arith.index_cast %get3A_159 : i32 to index
        %get3A_161 = arith.index_cast %mul3A_91 : i32 to index
        %get3A_162 = tpu.vector_load %arg9[%get3A_160, %get3A_161] {strides = array<i32>} : memref<16x1024xf32, #tpu.memory_space<vmem>>, vector<1x16xf32>,
        %get3A_163 = vector.shape_cast %get3A_162 : vector<1x16xf32> to vector<16xf32>
        %get3A_164 = arith.constant 3 : i32
        %get3A_165 = arith.index_cast %get3A_164 : i32 to index
        %get3A_166 = arith.index_cast %mul3A_91 : i32 to index
        %get3A_167 = tpu.vector_load %arg10[%get3A_165, %get3A_166] {strides = array<i32>} : memref<16x1024xf32, #tpu.memory_space<vmem>>, vector<1x16xf32>,
        %get3A_168 = vector.shape_cast %get3A_167 : vector<1x16xf32> to vector<16xf32>
        %sub3A_169 = arith.subf %get3A_163, %get3A_168 : vector<16xf32>
        %mul3A_170 = arith.mulf %get3A_168, %sub3A_169 : vector<16xf32>
        %mul3A_171 = arith.mulf %mul3A_170, %mul3A_170 : vector<16xf32>
        %mul3A_172 = arith.mulf %mul3A_97, %mul3A_171 : vector<16xf32>
        %add3A_173 = arith.addf %add3A_155, %mul3A_172 : vector<16xf32>
        %mul3A_174 = arith.mulf %sub3A_169, %sub3A_169 : vector<16xf32>
        %mul3A_175 = arith.mulf %mul3A_104, %mul3A_174 : vector<16xf32>
        %add3A_176 = arith.addf %add3A_158, %mul3A_175 : vector<16xf32>
        %get3A_177 = arith.constant 4 : i32
        %get3A_178 = arith.index_cast %get3A_177 : i32 to index
        %get3A_179 = arith.index_cast %mul3A_91 : i32 to index
        %get3A_180 = tpu.vector_load %arg9[%get3A_178, %get3A_179] {strides = array<i32>} : memref<16x1024xf32, #tpu.memory_space<vmem>>, vector<1x16xf32>,
        %get3A_181 = vector.shape_cast %get3A_180 : vector<1x16xf32> to vector<16xf32>
        %get3A_182 = arith.constant 4 : i32
        %get3A_183 = arith.index_cast %get3A_182 : i32 to index
        %get3A_184 = arith.index_cast %mul3A_91 : i32 to index
        %get3A_185 = tpu.vector_load %arg10[%get3A_183, %get3A_184] {strides = array<i32>} : memref<16x1024xf32, #tpu.memory_space<vmem>>, vector<1x16xf32>,
        %get3A_186 = vector.shape_cast %get3A_185 : vector<1x16xf32> to vector<16xf32>
        %sub3A_187 = arith.subf %get3A_181, %get3A_186 : vector<16xf32>
        %mul3A_188 = arith.mulf %get3A_186, %sub3A_187 : vector<16xf32>
        %mul3A_189 = arith.mulf %mul3A_188, %mul3A_188 : vector<16xf32>
        %mul3A_190 = arith.mulf %mul3A_97, %mul3A_189 : vector<16xf32>
        %add3A_191 = arith.addf %add3A_173, %mul3A_190 : vector<16xf32>
        %mul3A_192 = arith.mulf %sub3A_187, %sub3A_187 : vector<16xf32>
        %mul3A_193 = arith.mulf %mul3A_104, %mul3A_192 : vector<16xf32>
        %add3A_194 = arith.addf %add3A_176, %mul3A_193 : vector<16xf32>
        %get3A_195 = arith.constant 5 : i32
        %get3A_196 = arith.index_cast %get3A_195 : i32 to index
        %get3A_197 = arith.index_cast %mul3A_91 : i32 to index
        %get3A_198 = tpu.vector_load %arg9[%get3A_196, %get3A_197] {strides = array<i32>} : memref<16x1024xf32, #tpu.memory_space<vmem>>, vector<1x16xf32>,
        %get3A_199 = vector.shape_cast %get3A_198 : vector<1x16xf32> to vector<16xf32>
        %get3A_200 = arith.constant 5 : i32
        %get3A_201 = arith.index_cast %get3A_200 : i32 to index
        %get3A_202 = arith.index_cast %mul3A_91 : i32 to index
        %get3A_203 = tpu.vector_load %arg10[%get3A_201, %get3A_202] {strides = array<i32>} : memref<16x1024xf32, #tpu.memory_space<vmem>>, vector<1x16xf32>,
        %get3A_204 = vector.shape_cast %get3A_203 : vector<1x16xf32> to vector<16xf32>
        %sub3A_205 = arith.subf %get3A_199, %get3A_204 : vector<16xf32>
        %mul3A_206 = arith.mulf %get3A_204, %sub3A_205 : vector<16xf32>
        %mul3A_207 = arith.mulf %mul3A_206, %mul3A_206 : vector<16xf32>
        %mul3A_208 = arith.mulf %mul3A_97, %mul3A_207 : vector<16xf32>
        %add3A_209 = arith.addf %add3A_191, %mul3A_208 : vector<16xf32>
        %mul3A_210 = arith.mulf %sub3A_205, %sub3A_205 : vector<16xf32>
        %mul3A_211 = arith.mulf %mul3A_104, %mul3A_210 : vector<16xf32>
        %add3A_212 = arith.addf %add3A_194, %mul3A_211 : vector<16xf32>
        %get3A_213 = arith.constant 6 : i32
        %get3A_214 = arith.index_cast %get3A_213 : i32 to index
        %get3A_215 = arith.index_cast %mul3A_91 : i32 to index
        %get3A_216 = tpu.vector_load %arg9[%get3A_214, %get3A_215] {strides = array<i32>} : memref<16x1024xf32, #tpu.memory_space<vmem>>, vector<1x16xf32>,
        %get3A_217 = vector.shape_cast %get3A_216 : vector<1x16xf32> to vector<16xf32>
        %get3A_218 = arith.constant 6 : i32
        %get3A_219 = arith.index_cast %get3A_218 : i32 to index
        %get3A_220 = arith.index_cast %mul3A_91 : i32 to index
        %get3A_221 = tpu.vector_load %arg10[%get3A_219, %get3A_220] {strides = array<i32>} : memref<16x1024xf32, #tpu.memory_space<vmem>>, vector<1x16xf32>,
        %get3A_222 = vector.shape_cast %get3A_221 : vector<1x16xf32> to vector<16xf32>
        %sub3A_223 = arith.subf %get3A_217, %get3A_222 : vector<16xf32>
        %mul3A_224 = arith.mulf %get3A_222, %sub3A_223 : vector<16xf32>
        %mul3A_225 = arith.mulf %mul3A_224, %mul3A_224 : vector<16xf32>
        %mul3A_226 = arith.mulf %mul3A_97, %mul3A_225 : vector<16xf32>
        %add3A_227 = arith.addf %add3A_209, %mul3A_226 : vector<16xf32>
        %mul3A_228 = arith.mulf %sub3A_223, %sub3A_223 : vector<16xf32>
        %mul3A_229 = arith.mulf %mul3A_104, %mul3A_228 : vector<16xf32>
        %add3A_230 = arith.addf %add3A_212, %mul3A_229 : vector<16xf32>
        %get3A_231 = arith.constant 7 : i32
        %get3A_232 = arith.index_cast %get3A_231 : i32 to index
        %get3A_233 = arith.index_cast %mul3A_91 : i32 to index
        %get3A_234 = tpu.vector_load %arg9[%get3A_232, %get3A_233] {strides = array<i32>} : memref<16x1024xf32, #tpu.memory_space<vmem>>, vector<1x16xf32>,
        %get3A_235 = vector.shape_cast %get3A_234 : vector<1x16xf32> to vector<16xf32>
        %get3A_236 = arith.constant 7 : i32
        %get3A_237 = arith.index_cast %get3A_236 : i32 to index
        %get3A_238 = arith.index_cast %mul3A_91 : i32 to index
        %get3A_239 = tpu.vector_load %arg10[%get3A_237, %get3A_238] {strides = array<i32>} : memref<16x1024xf32, #tpu.memory_space<vmem>>, vector<1x16xf32>,
        %get3A_240 = vector.shape_cast %get3A_239 : vector<1x16xf32> to vector<16xf32>
        %sub3A_241 = arith.subf %get3A_235, %get3A_240 : vector<16xf32>
        %mul3A_242 = arith.mulf %get3A_240, %sub3A_241 : vector<16xf32>
        %mul3A_243 = arith.mulf %mul3A_242, %mul3A_242 : vector<16xf32>
        %mul3A_244 = arith.mulf %mul3A_97, %mul3A_243 : vector<16xf32>
        %add3A_245 = arith.addf %add3A_227, %mul3A_244 : vector<16xf32>
        %mul3A_246 = arith.mulf %sub3A_241, %sub3A_241 : vector<16xf32>
        %mul3A_247 = arith.mulf %mul3A_104, %mul3A_246 : vector<16xf32>
        %add3A_248 = arith.addf %add3A_230, %mul3A_247 : vector<16xf32>
        %get3A_249 = arith.constant 8 : i32
        %get3A_250 = arith.index_cast %get3A_249 : i32 to index
        %get3A_251 = arith.index_cast %mul3A_91 : i32 to index
        %get3A_252 = tpu.vector_load %arg9[%get3A_250, %get3A_251] {strides = array<i32>} : memref<16x1024xf32, #tpu.memory_space<vmem>>, vector<1x16xf32>,
        %get3A_253 = vector.shape_cast %get3A_252 : vector<1x16xf32> to vector<16xf32>
        %get3A_254 = arith.constant 8 : i32
        %get3A_255 = arith.index_cast %get3A_254 : i32 to index
        %get3A_256 = arith.index_cast %mul3A_91 : i32 to index
        %get3A_257 = tpu.vector_load %arg10[%get3A_255, %get3A_256] {strides = array<i32>} : memref<16x1024xf32, #tpu.memory_space<vmem>>, vector<1x16xf32>,
        %get3A_258 = vector.shape_cast %get3A_257 : vector<1x16xf32> to vector<16xf32>
        %sub3A_259 = arith.subf %get3A_253, %get3A_258 : vector<16xf32>
        %mul3A_260 = arith.mulf %get3A_258, %sub3A_259 : vector<16xf32>
        %mul3A_261 = arith.mulf %mul3A_260, %mul3A_260 : vector<16xf32>
        %mul3A_262 = arith.mulf %mul3A_97, %mul3A_261 : vector<16xf32>
        %add3A_263 = arith.addf %add3A_245, %mul3A_262 : vector<16xf32>
        %mul3A_264 = arith.mulf %sub3A_259, %sub3A_259 : vector<16xf32>
        %mul3A_265 = arith.mulf %mul3A_104, %mul3A_264 : vector<16xf32>
        %add3A_266 = arith.addf %add3A_248, %mul3A_265 : vector<16xf32>
        %get3A_267 = arith.constant 9 : i32
        %get3A_268 = arith.index_cast %get3A_267 : i32 to index
        %get3A_269 = arith.index_cast %mul3A_91 : i32 to index
        %get3A_270 = tpu.vector_load %arg9[%get3A_268, %get3A_269] {strides = array<i32>} : memref<16x1024xf32, #tpu.memory_space<vmem>>, vector<1x16xf32>,
        %get3A_271 = vector.shape_cast %get3A_270 : vector<1x16xf32> to vector<16xf32>
        %get3A_272 = arith.constant 9 : i32
        %get3A_273 = arith.index_cast %get3A_272 : i32 to index
        %get3A_274 = arith.index_cast %mul3A_91 : i32 to index
        %get3A_275 = tpu.vector_load %arg10[%get3A_273, %get3A_274] {strides = array<i32>} : memref<16x1024xf32, #tpu.memory_space<vmem>>, vector<1x16xf32>,
        %get3A_276 = vector.shape_cast %get3A_275 : vector<1x16xf32> to vector<16xf32>
        %sub3A_277 = arith.subf %get3A_271, %get3A_276 : vector<16xf32>
        %mul3A_278 = arith.mulf %get3A_276, %sub3A_277 : vector<16xf32>
        %mul3A_279 = arith.mulf %mul3A_278, %mul3A_278 : vector<16xf32>
        %mul3A_280 = arith.mulf %mul3A_97, %mul3A_279 : vector<16xf32>
        %add3A_281 = arith.addf %add3A_263, %mul3A_280 : vector<16xf32>
        %mul3A_282 = arith.mulf %sub3A_277, %sub3A_277 : vector<16xf32>
        %mul3A_283 = arith.mulf %mul3A_104, %mul3A_282 : vector<16xf32>
        %add3A_284 = arith.addf %add3A_266, %mul3A_283 : vector<16xf32>
        %get3A_285 = arith.constant 10 : i32
        %get3A_286 = arith.index_cast %get3A_285 : i32 to index
        %get3A_287 = arith.index_cast %mul3A_91 : i32 to index
        %get3A_288 = tpu.vector_load %arg9[%get3A_286, %get3A_287] {strides = array<i32>} : memref<16x1024xf32, #tpu.memory_space<vmem>>, vector<1x16xf32>,
        %get3A_289 = vector.shape_cast %get3A_288 : vector<1x16xf32> to vector<16xf32>
        %get3A_290 = arith.constant 10 : i32
        %get3A_291 = arith.index_cast %get3A_290 : i32 to index
        %get3A_292 = arith.index_cast %mul3A_91 : i32 to index
        %get3A_293 = tpu.vector_load %arg10[%get3A_291, %get3A_292] {strides = array<i32>} : memref<16x1024xf32, #tpu.memory_space<vmem>>, vector<1x16xf32>,
        %get3A_294 = vector.shape_cast %get3A_293 : vector<1x16xf32> to vector<16xf32>
        %sub3A_295 = arith.subf %get3A_289, %get3A_294 : vector<16xf32>
        %mul3A_296 = arith.mulf %get3A_294, %sub3A_295 : vector<16xf32>
        %mul3A_297 = arith.mulf %mul3A_296, %mul3A_296 : vector<16xf32>
        %mul3A_298 = arith.mulf %mul3A_97, %mul3A_297 : vector<16xf32>
        %add3A_299 = arith.addf %add3A_281, %mul3A_298 : vector<16xf32>
        %mul3A_300 = arith.mulf %sub3A_295, %sub3A_295 : vector<16xf32>
        %mul3A_301 = arith.mulf %mul3A_104, %mul3A_300 : vector<16xf32>
        %add3A_302 = arith.addf %add3A_284, %mul3A_301 : vector<16xf32>
        %get3A_303 = arith.constant 11 : i32
        %get3A_304 = arith.index_cast %get3A_303 : i32 to index
        %get3A_305 = arith.index_cast %mul3A_91 : i32 to index
        %get3A_306 = tpu.vector_load %arg9[%get3A_304, %get3A_305] {strides = array<i32>} : memref<16x1024xf32, #tpu.memory_space<vmem>>, vector<1x16xf32>,
        %get3A_307 = vector.shape_cast %get3A_306 : vector<1x16xf32> to vector<16xf32>
        %get3A_308 = arith.constant 11 : i32
        %get3A_309 = arith.index_cast %get3A_308 : i32 to index
        %get3A_310 = arith.index_cast %mul3A_91 : i32 to index
        %get3A_311 = tpu.vector_load %arg10[%get3A_309, %get3A_310] {strides = array<i32>} : memref<16x1024xf32, #tpu.memory_space<vmem>>, vector<1x16xf32>,
        %get3A_312 = vector.shape_cast %get3A_311 : vector<1x16xf32> to vector<16xf32>
        %sub3A_313 = arith.subf %get3A_307, %get3A_312 : vector<16xf32>
        %mul3A_314 = arith.mulf %get3A_312, %sub3A_313 : vector<16xf32>
        %mul3A_315 = arith.mulf %mul3A_314, %mul3A_314 : vector<16xf32>
        %mul3A_316 = arith.mulf %mul3A_97, %mul3A_315 : vector<16xf32>
        %add3A_317 = arith.addf %add3A_299, %mul3A_316 : vector<16xf32>
        %mul3A_318 = arith.mulf %sub3A_313, %sub3A_313 : vector<16xf32>
        %mul3A_319 = arith.mulf %mul3A_104, %mul3A_318 : vector<16xf32>
        %add3A_320 = arith.addf %add3A_302, %mul3A_319 : vector<16xf32>
        %get3A_321 = arith.constant 12 : i32
        %get3A_322 = arith.index_cast %get3A_321 : i32 to index
        %get3A_323 = arith.index_cast %mul3A_91 : i32 to index
        %get3A_324 = tpu.vector_load %arg9[%get3A_322, %get3A_323] {strides = array<i32>} : memref<16x1024xf32, #tpu.memory_space<vmem>>, vector<1x16xf32>,
        %get3A_325 = vector.shape_cast %get3A_324 : vector<1x16xf32> to vector<16xf32>
        %get3A_326 = arith.constant 12 : i32
        %get3A_327 = arith.index_cast %get3A_326 : i32 to index
        %get3A_328 = arith.index_cast %mul3A_91 : i32 to index
        %get3A_329 = tpu.vector_load %arg10[%get3A_327, %get3A_328] {strides = array<i32>} : memref<16x1024xf32, #tpu.memory_space<vmem>>, vector<1x16xf32>,
        %get3A_330 = vector.shape_cast %get3A_329 : vector<1x16xf32> to vector<16xf32>
        %sub3A_331 = arith.subf %get3A_325, %get3A_330 : vector<16xf32>
        %mul3A_332 = arith.mulf %get3A_330, %sub3A_331 : vector<16xf32>
        %mul3A_333 = arith.mulf %mul3A_332, %mul3A_332 : vector<16xf32>
        %mul3A_334 = arith.mulf %mul3A_97, %mul3A_333 : vector<16xf32>
        %add3A_335 = arith.addf %add3A_317, %mul3A_334 : vector<16xf32>
        %mul3A_336 = arith.mulf %sub3A_331, %sub3A_331 : vector<16xf32>
        %mul3A_337 = arith.mulf %mul3A_104, %mul3A_336 : vector<16xf32>
        %add3A_338 = arith.addf %add3A_320, %mul3A_337 : vector<16xf32>
        %get3A_339 = arith.constant 13 : i32
        %get3A_340 = arith.index_cast %get3A_339 : i32 to index
        %get3A_341 = arith.index_cast %mul3A_91 : i32 to index
        %get3A_342 = tpu.vector_load %arg9[%get3A_340, %get3A_341] {strides = array<i32>} : memref<16x1024xf32, #tpu.memory_space<vmem>>, vector<1x16xf32>,
        %get3A_343 = vector.shape_cast %get3A_342 : vector<1x16xf32> to vector<16xf32>
        %get3A_344 = arith.constant 13 : i32
        %get3A_345 = arith.index_cast %get3A_344 : i32 to index
        %get3A_346 = arith.index_cast %mul3A_91 : i32 to index
        %get3A_347 = tpu.vector_load %arg10[%get3A_345, %get3A_346] {strides = array<i32>} : memref<16x1024xf32, #tpu.memory_space<vmem>>, vector<1x16xf32>,
        %get3A_348 = vector.shape_cast %get3A_347 : vector<1x16xf32> to vector<16xf32>
        %sub3A_349 = arith.subf %get3A_343, %get3A_348 : vector<16xf32>
        %mul3A_350 = arith.mulf %get3A_348, %sub3A_349 : vector<16xf32>
        %mul3A_351 = arith.mulf %mul3A_350, %mul3A_350 : vector<16xf32>
        %mul3A_352 = arith.mulf %mul3A_97, %mul3A_351 : vector<16xf32>
        %add3A_353 = arith.addf %add3A_335, %mul3A_352 : vector<16xf32>
        %mul3A_354 = arith.mulf %sub3A_349, %sub3A_349 : vector<16xf32>
        %mul3A_355 = arith.mulf %mul3A_104, %mul3A_354 : vector<16xf32>
        %add3A_356 = arith.addf %add3A_338, %mul3A_355 : vector<16xf32>
        %get3A_357 = arith.constant 14 : i32
        %get3A_358 = arith.index_cast %get3A_357 : i32 to index
        %get3A_359 = arith.index_cast %mul3A_91 : i32 to index
        %get3A_360 = tpu.vector_load %arg9[%get3A_358, %get3A_359] {strides = array<i32>} : memref<16x1024xf32, #tpu.memory_space<vmem>>, vector<1x16xf32>,
        %get3A_361 = vector.shape_cast %get3A_360 : vector<1x16xf32> to vector<16xf32>
        %get3A_362 = arith.constant 14 : i32
        %get3A_363 = arith.index_cast %get3A_362 : i32 to index
        %get3A_364 = arith.index_cast %mul3A_91 : i32 to index
        %get3A_365 = tpu.vector_load %arg10[%get3A_363, %get3A_364] {strides = array<i32>} : memref<16x1024xf32, #tpu.memory_space<vmem>>, vector<1x16xf32>,
        %get3A_366 = vector.shape_cast %get3A_365 : vector<1x16xf32> to vector<16xf32>
        %sub3A_367 = arith.subf %get3A_361, %get3A_366 : vector<16xf32>
        %mul3A_368 = arith.mulf %get3A_366, %sub3A_367 : vector<16xf32>
        %mul3A_369 = arith.mulf %mul3A_368, %mul3A_368 : vector<16xf32>
        %mul3A_370 = arith.mulf %mul3A_97, %mul3A_369 : vector<16xf32>
        %add3A_371 = arith.addf %add3A_353, %mul3A_370 : vector<16xf32>
        %mul3A_372 = arith.mulf %sub3A_367, %sub3A_367 : vector<16xf32>
        %mul3A_373 = arith.mulf %mul3A_104, %mul3A_372 : vector<16xf32>
        %add3A_374 = arith.addf %add3A_356, %mul3A_373 : vector<16xf32>
        %get3A_375 = arith.constant 15 : i32
        %get3A_376 = arith.index_cast %get3A_375 : i32 to index
        %get3A_377 = arith.index_cast %mul3A_91 : i32 to index
        %get3A_378 = tpu.vector_load %arg9[%get3A_376, %get3A_377] {strides = array<i32>} : memref<16x1024xf32, #tpu.memory_space<vmem>>, vector<1x16xf32>,
        %get3A_379 = vector.shape_cast %get3A_378 : vector<1x16xf32> to vector<16xf32>
        %get3A_380 = arith.constant 15 : i32
        %get3A_381 = arith.index_cast %get3A_380 : i32 to index
        %get3A_382 = arith.index_cast %mul3A_91 : i32 to index
        %get3A_383 = tpu.vector_load %arg10[%get3A_381, %get3A_382] {strides = array<i32>} : memref<16x1024xf32, #tpu.memory_space<vmem>>, vector<1x16xf32>,
        %get3A_384 = vector.shape_cast %get3A_383 : vector<1x16xf32> to vector<16xf32>
        %sub3A_385 = arith.subf %get3A_379, %get3A_384 : vector<16xf32>
        %mul3A_386 = arith.mulf %get3A_384, %sub3A_385 : vector<16xf32>
        %mul3A_387 = arith.mulf %mul3A_386, %mul3A_386 : vector<16xf32>
        %mul3A_388 = arith.mulf %mul3A_97, %mul3A_387 : vector<16xf32>
        %add3A_389 = arith.addf %add3A_371, %mul3A_388 : vector<16xf32>
        %mul3A_390 = arith.mulf %sub3A_385, %sub3A_385 : vector<16xf32>
        %mul3A_391 = arith.mulf %mul3A_104, %mul3A_390 : vector<16xf32>
        %add3A_392 = arith.addf %add3A_374, %mul3A_391 : vector<16xf32>
        scf.yield %add3A_389, %add3A_392 : vector<16xf32>, vector<16xf32>
      }
      %scan3A_86 = arith.constant 64 : i32
      scf.yield %scan3A_85#0, %scan3A_85#1 : vector<16xf32>, vector<16xf32>
    }
    %scan3A_19 = arith.constant 7 : i32
    %add3A_20 = arith.addf %scan3A_18#0, %scan3A_18#1 : vector<16xf32>
    %swap3A = arith.constant 0 : index
    %swap3A_21 = tpu.vector_load %arg12[%swap3A] {strides = array<i32>} : memref<16xf32, #tpu.memory_space<vmem>>, vector<16xf32>,
    %swap3A_22 = vector.shape_cast %swap3A_21 : vector<16xf32> to vector<16xf32>
    %swap3A_23 = vector.shape_cast %add3A_20 : vector<16xf32> to vector<16xf32>
    tpu.vector_store %arg12[%swap3A], %swap3A_23 {strides = array<i32>} : memref<16xf32, #tpu.memory_space<vmem>>, vector<16xf32>,
    "tpu.region"() ({
      %run_scoped3A = tpu.sem_alloc : memref<!tpu.dma_semaphore, #tpu.memory_space<semaphore_mem>>
      %dma_start3A_24 = arith.constant 0 : i32
      %dma_start3A_25 = tpu.memref_slice %arg5[%add3A, %dma_start3A_24] : memref<32x16xf32, #tpu.memory_space<hbm>> -> memref<1x16xf32, #tpu.memory_space<hbm>>
      %dma_start3A_26 = tpu.memref_squeeze %dma_start3A_25 : memref<1x16xf32, #tpu.memory_space<hbm>> -> memref<16xf32, #tpu.memory_space<hbm>>
      %dma_start3A_27 = arith.constant 0 : i32
      %dma_start3A_28 = tpu.memref_slice %arg5[%add3A, %dma_start3A_27] : memref<32x16xf32, #tpu.memory_space<hbm>> -> memref<1x16xf32, #tpu.memory_space<hbm>>
      %dma_start3A_29 = tpu.memref_squeeze %dma_start3A_28 : memref<1x16xf32, #tpu.memory_space<hbm>> -> memref<16xf32, #tpu.memory_space<hbm>>
      tpu.enqueue_dma source(%arg12 : memref<16xf32, #tpu.memory_space<vmem>>) target(%dma_start3A_29 : memref<16xf32, #tpu.memory_space<hbm>>) target_semaphore(%run_scoped3A : memref<!tpu.dma_semaphore, #tpu.memory_space<semaphore_mem>>)
      %dma_wait3A = arith.constant 0 : i32
      %dma_wait3A_30 = tpu.memref_slice %arg5[%add3A, %dma_wait3A] : memref<32x16xf32, #tpu.memory_space<hbm>> -> memref<1x16xf32, #tpu.memory_space<hbm>>
      %dma_wait3A_31 = tpu.memref_squeeze %dma_wait3A_30 : memref<1x16xf32, #tpu.memory_space<hbm>> -> memref<16xf32, #tpu.memory_space<hbm>>
      %dma_wait3A_32 = arith.constant 0 : i32
      %dma_wait3A_33 = tpu.memref_slice %arg5[%add3A, %dma_wait3A_32] : memref<32x16xf32, #tpu.memory_space<hbm>> -> memref<1x16xf32, #tpu.memory_space<hbm>>
      %dma_wait3A_34 = tpu.memref_squeeze %dma_wait3A_33 : memref<1x16xf32, #tpu.memory_space<hbm>> -> memref<16xf32, #tpu.memory_space<hbm>>
      tpu.wait_dma2 semaphore(%run_scoped3A : memref<!tpu.dma_semaphore, #tpu.memory_space<semaphore_mem>>) src(%arg12 : memref<16xf32, #tpu.memory_space<vmem>>) dst(%dma_wait3A_34 : memref<16xf32, #tpu.memory_space<hbm>>)
      tpu.yield
    }) : () -> ()
    return
  }
}

module attributes {stable_mosaic.version = 14 : i64} {
  func.func @tc_body(%arg0: i32, %arg1: memref<16x65536xf32, #tpu.memory_space<vmem>>, %arg2: memref<16x65536xf32, #tpu.memory_space<vmem>>, %arg3: memref<65536xi32, #tpu.memory_space<vmem>>, %arg4: memref<1x1024xf32, #tpu.memory_space<vmem>>) attributes {dimension_semantics = [#tpu.dimension_semantics<arbitrary>], iteration_bounds = array<i64: 9>, scalar_prefetch = 0 : i64, scratch_operands = 0 : i64, tpu.core_type = #tpu.core_type<tc>, window_params = [{transform_indices = @transform_0, window_bounds = array<i64: 16, 65536>}, {transform_indices = @transform_1, window_bounds = array<i64: 16, 65536>}, {transform_indices = @transform_2, window_bounds = array<i64: 65536>}, {pipeline_mode = #tpu.pipeline_mode<synchronous>, transform_indices = @transform_3, window_bounds = array<i64: 1, 1024>}]} {
    %get3A = arith.constant 0 : index
    %get3A_0 = vector.load %arg3[%get3A] : memref<65536xi32, #tpu.memory_space<vmem>>, vector<65536xi32>
    %convert_element_type3A = arith.sitofp %get3A_0 : vector<65536xi32> to vector<65536xf32>
    %sub3A = arith.constant 2.000000e+00 : f32
    %sub3A_1 = vector.broadcast %sub3A : f32 to vector<65536xf32>
    %sub3A_2 = arith.subf %sub3A_1, %convert_element_type3A : vector<65536xf32>
    %mul3A = arith.mulf %convert_element_type3A, %sub3A_2 : vector<65536xf32>
    %sub3A_3 = arith.constant 1.000000e+00 : f32
    %sub3A_4 = vector.broadcast %sub3A_3 : f32 to vector<65536xf32>
    %sub3A_5 = arith.subf %convert_element_type3A, %sub3A_4 : vector<65536xf32>
    %mul3A_6 = arith.mulf %convert_element_type3A, %sub3A_5 : vector<65536xf32>
    %mul3A_7 = arith.constant 5.000000e-01 : f32
    %mul3A_8 = vector.broadcast %mul3A_7 : f32 to vector<65536xf32>
    %mul3A_9 = arith.mulf %mul3A_6, %mul3A_8 : vector<65536xf32>
    %broadcast_in_dim3A = vector.shape_cast %mul3A : vector<65536xf32> to vector<1x65536xf32>
    %broadcast_in_dim3A_10 = vector.broadcast %broadcast_in_dim3A : vector<1x65536xf32> to vector<16x65536xf32>
    %broadcast_in_dim3A_11 = vector.shape_cast %mul3A_9 : vector<65536xf32> to vector<1x65536xf32>
    %broadcast_in_dim3A_12 = vector.broadcast %broadcast_in_dim3A_11 : vector<1x65536xf32> to vector<16x65536xf32>
    %get3A_13 = arith.constant 0 : index
    %get3A_14 = arith.constant 0 : index
    %get3A_15 = vector.load %arg2[%get3A_13, %get3A_14] : memref<16x65536xf32, #tpu.memory_space<vmem>>, vector<16x65536xf32>
    %get3A_16 = arith.constant 0 : index
    %get3A_17 = arith.constant 0 : index
    %get3A_18 = vector.load %arg1[%get3A_16, %get3A_17] : memref<16x65536xf32, #tpu.memory_space<vmem>>, vector<16x65536xf32>
    %sub3A_19 = arith.subf %get3A_18, %get3A_15 : vector<16x65536xf32>
    %mul3A_20 = arith.mulf %get3A_15, %broadcast_in_dim3A_10 : vector<16x65536xf32>
    %add3A = arith.addf %mul3A_20, %broadcast_in_dim3A_12 : vector<16x65536xf32>
    %mul3A_21 = arith.mulf %add3A, %sub3A_19 : vector<16x65536xf32>
    %mul3A_22 = arith.mulf %mul3A_21, %mul3A_21 : vector<16x65536xf32>
    %slice3A = vector.extract_strided_slice %mul3A_22 {offsets = [0, 0], sizes = [8, 65536], strides = [1, 1]} : vector<16x65536xf32> to vector<8x65536xf32>
    %slice3A_23 = vector.extract_strided_slice %mul3A_22 {offsets = [8, 0], sizes = [8, 65536], strides = [1, 1]} : vector<16x65536xf32> to vector<8x65536xf32>
    %add3A_24 = arith.addf %slice3A, %slice3A_23 : vector<8x65536xf32>
    %slice3A_25 = vector.extract_strided_slice %add3A_24 {offsets = [0, 0], sizes = [4, 65536], strides = [1, 1]} : vector<8x65536xf32> to vector<4x65536xf32>
    %slice3A_26 = vector.extract_strided_slice %add3A_24 {offsets = [4, 0], sizes = [4, 65536], strides = [1, 1]} : vector<8x65536xf32> to vector<4x65536xf32>
    %add3A_27 = arith.addf %slice3A_25, %slice3A_26 : vector<4x65536xf32>
    %slice3A_28 = vector.extract_strided_slice %add3A_27 {offsets = [0, 0], sizes = [2, 65536], strides = [1, 1]} : vector<4x65536xf32> to vector<2x65536xf32>
    %slice3A_29 = vector.extract_strided_slice %add3A_27 {offsets = [2, 0], sizes = [2, 65536], strides = [1, 1]} : vector<4x65536xf32> to vector<2x65536xf32>
    %add3A_30 = arith.addf %slice3A_28, %slice3A_29 : vector<2x65536xf32>
    %slice3A_31 = vector.extract_strided_slice %add3A_30 {offsets = [0, 0], sizes = [1, 65536], strides = [1, 1]} : vector<2x65536xf32> to vector<1x65536xf32>
    %slice3A_32 = vector.extract_strided_slice %add3A_30 {offsets = [1, 0], sizes = [1, 65536], strides = [1, 1]} : vector<2x65536xf32> to vector<1x65536xf32>
    %add3A_33 = arith.addf %slice3A_31, %slice3A_32 : vector<1x65536xf32>
    %slice3A_34 = vector.extract_strided_slice %add3A_33 {offsets = [0, 0], sizes = [1, 32768], strides = [1, 1]} : vector<1x65536xf32> to vector<1x32768xf32>
    %slice3A_35 = vector.extract_strided_slice %add3A_33 {offsets = [0, 32768], sizes = [1, 32768], strides = [1, 1]} : vector<1x65536xf32> to vector<1x32768xf32>
    %add3A_36 = arith.addf %slice3A_34, %slice3A_35 : vector<1x32768xf32>
    %slice3A_37 = vector.extract_strided_slice %add3A_36 {offsets = [0, 0], sizes = [1, 16384], strides = [1, 1]} : vector<1x32768xf32> to vector<1x16384xf32>
    %slice3A_38 = vector.extract_strided_slice %add3A_36 {offsets = [0, 16384], sizes = [1, 16384], strides = [1, 1]} : vector<1x32768xf32> to vector<1x16384xf32>
    %add3A_39 = arith.addf %slice3A_37, %slice3A_38 : vector<1x16384xf32>
    %slice3A_40 = vector.extract_strided_slice %add3A_39 {offsets = [0, 0], sizes = [1, 8192], strides = [1, 1]} : vector<1x16384xf32> to vector<1x8192xf32>
    %slice3A_41 = vector.extract_strided_slice %add3A_39 {offsets = [0, 8192], sizes = [1, 8192], strides = [1, 1]} : vector<1x16384xf32> to vector<1x8192xf32>
    %add3A_42 = arith.addf %slice3A_40, %slice3A_41 : vector<1x8192xf32>
    %slice3A_43 = vector.extract_strided_slice %add3A_42 {offsets = [0, 0], sizes = [1, 4096], strides = [1, 1]} : vector<1x8192xf32> to vector<1x4096xf32>
    %slice3A_44 = vector.extract_strided_slice %add3A_42 {offsets = [0, 4096], sizes = [1, 4096], strides = [1, 1]} : vector<1x8192xf32> to vector<1x4096xf32>
    %add3A_45 = arith.addf %slice3A_43, %slice3A_44 : vector<1x4096xf32>
    %slice3A_46 = vector.extract_strided_slice %add3A_45 {offsets = [0, 0], sizes = [1, 2048], strides = [1, 1]} : vector<1x4096xf32> to vector<1x2048xf32>
    %slice3A_47 = vector.extract_strided_slice %add3A_45 {offsets = [0, 2048], sizes = [1, 2048], strides = [1, 1]} : vector<1x4096xf32> to vector<1x2048xf32>
    %add3A_48 = arith.addf %slice3A_46, %slice3A_47 : vector<1x2048xf32>
    %slice3A_49 = vector.extract_strided_slice %add3A_48 {offsets = [0, 0], sizes = [1, 1024], strides = [1, 1]} : vector<1x2048xf32> to vector<1x1024xf32>
    %slice3A_50 = vector.extract_strided_slice %add3A_48 {offsets = [0, 1024], sizes = [1, 1024], strides = [1, 1]} : vector<1x2048xf32> to vector<1x1024xf32>
    %add3A_51 = arith.addf %slice3A_49, %slice3A_50 : vector<1x1024xf32>
    %eq3A = arith.constant 0 : i32
    %eq3A_52 = arith.cmpi eq, %arg0, %eq3A : i32
    %convert_element_type3A_53 = arith.extui %eq3A_52 : i1 to i32
    %cond3A = arith.constant 0 : i32
    %cond3A_54 = arith.cmpi ne, %convert_element_type3A_53, %cond3A : i32
    scf.if %cond3A_54 {
      %broadcast_in_dim3A_61 = arith.constant 0.000000e+00 : f32
      %broadcast_in_dim3A_62 = vector.broadcast %broadcast_in_dim3A_61 : f32 to vector<1x1024xf32>
      %swap3A_63 = arith.constant 0 : index
      %swap3A_64 = arith.constant 0 : index
      %swap3A_65 = vector.load %arg4[%swap3A_63, %swap3A_64] : memref<1x1024xf32, #tpu.memory_space<vmem>>, vector<1x1024xf32>
      tpu.vector_store %arg4[%swap3A_63, %swap3A_64], %broadcast_in_dim3A_62 {strides = array<i32>} : memref<1x1024xf32, #tpu.memory_space<vmem>>, vector<1x1024xf32>,
    } else {
    }
    %get3A_55 = arith.constant 0 : index
    %get3A_56 = arith.constant 0 : index
    %get3A_57 = vector.load %arg4[%get3A_55, %get3A_56] : memref<1x1024xf32, #tpu.memory_space<vmem>>, vector<1x1024xf32>
    %add3A_58 = arith.addf %get3A_57, %add3A_51 : vector<1x1024xf32>
    %swap3A = arith.constant 0 : index
    %swap3A_59 = arith.constant 0 : index
    %swap3A_60 = vector.load %arg4[%swap3A, %swap3A_59] : memref<1x1024xf32, #tpu.memory_space<vmem>>, vector<1x1024xf32>
    tpu.vector_store %arg4[%swap3A, %swap3A_59], %add3A_58 {strides = array<i32>} : memref<1x1024xf32, #tpu.memory_space<vmem>>, vector<1x1024xf32>,
    return
  }
  func.func @transform_0(%arg0: i32) -> (i32, i32) {
    %add3A = arith.constant 7 : i32
    %add3A_0 = arith.addi %arg0, %add3A : i32
    %c0_i32 = arith.constant 0 : i32
    %c0_i32_1 = arith.constant 0 : i32
    return %c0_i32, %add3A_0 : i32, i32
  }
  func.func @transform_1(%arg0: i32) -> (i32, i32) {
    %add3A = arith.constant 7 : i32
    %add3A_0 = arith.addi %arg0, %add3A : i32
    %c0_i32 = arith.constant 0 : i32
    %c0_i32_1 = arith.constant 0 : i32
    return %c0_i32, %add3A_0 : i32, i32
  }
  func.func @transform_2(%arg0: i32) -> i32 {
    %add3A = arith.constant 7 : i32
    %add3A_0 = arith.addi %arg0, %add3A : i32
    %c0_i32 = arith.constant 0 : i32
    return %add3A_0 : i32
  }
  func.func @transform_3(%arg0: i32) -> (i32, i32) {
    %c0_i32 = arith.constant 0 : i32
    %c0_i32_0 = arith.constant 0 : i32
    %c0_i32_1 = arith.constant 0 : i32
    return %c0_i32, %c0_i32_0 : i32, i32
  }
}

</mosaic_0001>

<sc_bundles>
// kernel: kernel.4.cloned.1.call-start
scs
__scs_entry_jumppad:
0x0: {  	(pc) =	sbr.rel $0x88, $3  }
0x1: {  	(tag) =	ssettag $0x0;
	lr =	simm.s32 $0x1  }
0x2: {  	[smem:$0x3F9E] =	sst lr;
	_ =	strace $0xD0000000  }
0x3: {  	_ = 	snop  }
0x4: {  	_ = 	snop  }
0x5: {  	_ = 	snop  }
0x6: {  	_ = 	snop  }
0x7: {  	_ = 	snop  }
__scs_overlays_trampoline_lowered:
0x8: {  	[smem:$0x3FAD] =	sst s0  }
0x9: {  	[smem:$0x3FAE] =	sst s1  }
0xa: {  	[smem:$0x3FAF] =	sst s2  }
0xb: {  	[smem:$0x3FB0] =	sst s3  }
0xc: {  	[smem:$0x3FB1] =	sst s4  }
0xd: {  	[smem:$0x3FB2] =	sst s5  }
0xe: {  	[smem:$0x3FB3] =	sst s6  }
0xf: {  	[smem:$0x3FB4] =	sst s7  }
0x10: {  	[smem:$0x3FB5] =	sst s8  }
0x11: {  	[smem:$0x3FB6] =	sst s9;
	s0 =	simm.s32 @!p0 $0x0  }
0x12: {  	s1 =	sld [smem:$0x3F9C];
	s0 =	simm.s32 @p0 $0x1  }
0x13: {  	[smem:$0x3FB7] =	sst s0;
	s0 =	simm.s32 @!p1 $0x0  }
0x14: {  	s2 =	sld [smem:$0x3F9B];
	s0 =	simm.s32 @p1 $0x1  }
0x15: {  	[smem:$0x3FB8] =	sst s0;
	s0 =	simm.s32 @!p2 $0x0  }
0x16: {  	s3 =	sld [smem:$0x3FDB];
	s0 =	simm.s32 @p2 $0x1  }
0x17: {  	s4 =	simm.s32 $0x1BF5;
	[smem:$0x3FBA] =	sst s0  }
0x18: {  	s0 =	sld [smem:$0x3F9D];
	_ =	swait.ge [sflag:s4], $0x0  }
0x19: {  	s7 =	sld [smem:$0x3F9E]  }
0x1a: {  	s8 =	sadd.s32 $0xFFFFE003, lr  }
0x1b: {  	s9 =	sadd.s32 $0xFFFFFEF7, lr;
	s5 =	simm.s32 $0xFFFFFFFF;
	p2 =	slt.u32 s8, $0xFFFFF086  }
0x1c: {  	p1 =	slt.u32 s9, $0xF7A;
	s5 =	simm.s32 @!p2 $0x0  }
0x1d: {  	s5 =	simm.s32 @p1 $0x1;
	p0 =	seq.s32 s7, s2  }
0x1e: {  	s7 =	smul.u32 @!p0 $0xF7A, s2;
	p2 =	seq.s32 @!p0 s5, $0x0  }
0x1f: {  	s9 =	smul.u32 $0xF7A, s1;
	s8 =	simm.s32 @!p0 $0x1BF5;
	p2 =	por !p2, p0  }
0x20: {  	[sflag:s8] =	ssyncset.s32 @!p0 $0xFFFFF086;
	s6 =	sadd.s32 @!p0 s3, s7;
	s7 =	simm.s32 @!p0 $0x108  }
0x21: {  	s3 =	sadd.s32 s3, s9;
	s6 =	sadd.s32 @!p0 $0x88, s6;
	s7 =	simm.s32 @p2 $0x1082  }
0x22: {  	[simem:s7], [sflag:s8] =	dma.local @!p0 [hbm:s6], $0xF7A  }
0x23: {  	s9 =	sor.u32 $0xD0000000, s2;
	s6 =	simm.s32 $0x108;
	_ =	swait.ge @!p0 [sflag:s8], $0x0  }
0x24: {  	s3 =	sadd.s32 $0x88, s3;
	s6 =	simm.s32 @!p1 $0x1082;
	[sflag:s4] =	ssyncset.s32 $0xFFFFF086  }
0x25: {  	[simem:s6], [sflag:s4] =	dma.local [hbm:s3], $0xF7A  }
0x26: {  	[smem:$0x3F9E] =	sst s1;
	(tag) =	ssettag s2;
	_ =	strace s9  }
0x27: {  	s1 =	sld [smem:$0x3FAE]  }
0x28: {  	s2 =	sld [smem:$0x3FAF]  }
0x29: {  	s4 =	sld [smem:$0x3FB1]  }
0x2a: {  	p0 =	seq.s32 s5, $0x0;
	s5 =	sld [smem:$0x3FB2]  }
0x2b: {  	s6 =	sld [smem:$0x3FB3]  }
0x2c: {  	s7 =	sld [smem:$0x3FB4]  }
0x2d: {  	s3 =	simm.s32 $0x108;
	s8 =	sld [smem:$0x3FB5]  }
0x2e: {  	s3 =	simm.s32 @!p0 $0x1082;
	s9 =	sld [smem:$0x3FB6]  }
0x2f: {  	lr =	sadd.s32 s0, s3;
	s0 =	sld [smem:$0x3FAD]  }
0x30: {  	s3 =	sld [smem:$0x3FB0]  }
0x31: {  	[smem:$0x3FB9] =	sst s10  }
0x32: {  	s10 =	sld [smem:$0x3FB7];
	_ =	sdelay $0x3  }
0x33: {  	p0 =	seq.s32 s10, $0x1;
	s10 =	sld [smem:$0x3FB9];
	_ =	sdelay $0x3  }
0x34: {  	[smem:$0x3FB9] =	sst s10  }
0x35: {  	s10 =	sld [smem:$0x3FB8];
	_ =	sdelay $0x3  }
0x36: {  	p1 =	seq.s32 s10, $0x1;
	s10 =	sld [smem:$0x3FB9];
	_ =	sdelay $0x3  }
0x37: {  	[smem:$0x3FB9] =	sst s10  }
0x38: {  	s10 =	sld [smem:$0x3FBA]  }
0x39: {  	_ = 	snop;
	(pc) =	sbr.ind lr, $3  }
0x3a: {  	_ = 	snop  }
0x3b: {  	_ = 	snop  }
0x3c: {  	p2 =	seq.s32 s10, $0x1;
	s10 =	sld [smem:$0x3FB9]  }
0x3d: {  	_ =	shalt  }
0x3e: {  	_ =	shalt  }
0x3f: {  	_ =	shalt  }
0x40: {  	_ =	shalt  }
0x41: {  	_ =	shalt  }
0x42: {  	_ =	shalt  }
0x43: {  	_ =	shalt  }
0x44: {  	_ =	shalt  }
0x45: {  	_ =	shalt  }
0x46: {  	_ =	shalt  }
0x47: {  	_ =	shalt  }
0x48: {  	_ =	shalt  }
0x49: {  	_ =	shalt  }
0x4a: {  	_ =	shalt  }
0x4b: {  	_ =	shalt  }
0x4c: {  	_ =	shalt  }
0x4d: {  	_ =	shalt  }
0x4e: {  	_ =	shalt  }
0x4f: {  	_ =	shalt  }
0x50: {  	_ =	shalt  }
0x51: {  	_ =	shalt  }
0x52: {  	_ =	shalt  }
0x53: {  	_ =	shalt  }
0x54: {  	_ =	shalt  }
0x55: {  	_ =	shalt  }
0x56: {  	_ =	shalt  }
0x57: {  	_ =	shalt  }
0x58: {  	_ =	shalt  }
0x59: {  	_ =	shalt  }
0x5a: {  	_ =	shalt  }
0x5b: {  	_ =	shalt  }
0x5c: {  	_ =	shalt  }
0x5d: {  	_ =	shalt  }
0x5e: {  	_ =	shalt  }
0x5f: {  	_ =	shalt  }
0x60: {  	_ =	shalt  }
0x61: {  	_ =	shalt  }
0x62: {  	_ =	shalt  }
0x63: {  	_ =	shalt  }
0x64: {  	_ =	shalt  }
0x65: {  	_ =	shalt  }
0x66: {  	_ =	shalt  }
0x67: {  	_ =	shalt  }
0x68: {  	_ =	shalt  }
0x69: {  	_ =	shalt  }
0x6a: {  	_ =	shalt  }
0x6b: {  	_ =	shalt  }
0x6c: {  	_ =	shalt  }
0x6d: {  	_ =	shalt  }
0x6e: {  	_ =	shalt  }
0x6f: {  	_ =	shalt  }
0x70: {  	_ =	shalt  }
0x71: {  	_ =	shalt  }
0x72: {  	_ =	shalt  }
0x73: {  	_ =	shalt  }
0x74: {  	_ =	shalt  }
0x75: {  	_ =	shalt  }
0x76: {  	_ =	shalt  }
0x77: {  	_ =	shalt  }
0x78: {  	_ =	shalt  }
0x79: {  	_ =	shalt  }
0x7a: {  	_ =	shalt  }
0x7b: {  	_ =	shalt  }
0x7c: {  	_ =	shalt  }
0x7d: {  	_ =	shalt  }
0x7e: {  	_ =	shalt  }
0x7f: {  	_ =	shalt  }
0x80: {  	_ =	shalt  }
0x81: {  	_ =	shalt  }
0x82: {  	_ =	shalt  }
0x83: {  	_ =	shalt  }
0x84: {  	_ =	shalt  }
0x85: {  	_ =	shalt  }
0x86: {  	_ =	shalt  }
0x87: {  	_ =	shalt  }
.Lfunc_end0:
.L_simem_size_0:
called_computation_lowered:
.L_overlay_start_0:
0x88: {  	s2 =	sld [smem:$0x3FD9]  }
0x89: {  	s3 =	sld [smem:$0x3FFE];
	_ =	sdelay $0x1  }
0x8a: {  	s1 =	srdreg.scid  }
0x8b: {  	s0 =	sand.u32 $0x1, s1  }
0x8c: {  	s17 =	sshll.u32 s0, $0xA;
	s2 =	sadd.s32 s3, s2  }
0x8d: {  	s2 =	sadd.s32 s2, s17  }
0x8e: {  	[smem:$0x3FC5] =	sst s2  }
0x8f: {  	_ = 	snop  }
0x90: {  	s2 =	sld [smem:$0x3FC9]  }
0x91: {  	s18 =	sld [smem:$0x3FC8]  }
0x92: {  	s4 =	sld [smem:$0x3FC7];
	(tm) =	ssettm $0x1  }
0x93: {  	s5 =	sld [smem:$0x3FFB];
	_ =	sdelay $0x3  }
0x94: {  	_ =	strace s5  }
0x95: {  	s5 =	sld [smem:$0x3FFC];
	_ =	sdelay $0x3  }
0x96: {  	_ =	strace s5  }
0x97: {  	s5 =	sld [smem:$0x3FFD];
	_ =	sdelay $0x3  }
0x98: {  	_ =	strace s5  }
0x99: {  	_ =	strace $0x8FFFFFFF  }
0x9a: {  	s19 =	sld [smem:$0x3FDB];
	_ =	sdelay $0x1  }
0x9b: {  	s6 =	simm.s32 $_scs_section_size  }
0x9c: {  	s7 =	simm.s32 $_size__tile_overlayer_lowered;
	s8 =	simm.s32 $_tile_overlayer_lowered  }
0x9d: {  	s22 =	simm.s32 $0x1BFF;
	s21 =	sshll.u32 s8, $0x1;
	s5 =	sadd.s32 s6, s19  }
0x9e: {  	s9 =	simm.s32 $0x0;
	s20 =	sshll.u32 s7, $0x1;
	s7 =	sadd.s32 s21, s5  }
0x9f: {  	[timem:s9], [sflag:s22] =	dma.local [hbm:s7], s20  }
0xa0: {  	_ =	swait.ge [sflag:s22], s20  }
0xa1: {  	s6 =	ssub.s32 $0x0, s20;
	[sflag:s22] =	ssyncset.done $0x0  }
0xa2: {  	[sflag:s22] =	ssyncadd.s32 s6;
	_ =	sdelay $0x1  }
0xa3: {  	s23 =	simm.s32 $0x1B8B  }
0xa4: {  	_ =	swait.ge [sflag:s23], $0x1  }
0xa5: {  	[sflag:s23] =	ssyncset.done $0x0  }
0xa6: {  	s25 =	simm.s32 $0x1B8E;
	s24 =	sld [smem:$0x3FFE];
	[sflag:s23] =	ssyncadd.s32 $0xFFFFFFFF  }
0xa7: {  	s26 =	simm.s32 $execute0_lowered;
	[smem:$0x3FD2] =	sst s25  }
0xa8: {  	s7 =	sshll.u32 s26, $0x1;
	_ =	strace $0x80000046;
	[dreg:$0x1] =	wrdreg $0xFFFFFFFF  }
0xa9: {  	s28 =	simm.s32 $_size_execute0_lowered;
	s5 =	sadd.s32 s5, s7;
	[dreg:$0x0] =	wrdreg $0x0  }
0xaa: {  	s7 =	sshll.u32 s28, $0x1;
	[dreg:$0x2] =	wrdreg s5  }
0xab: {  	[dreg:$0x3] =	wrdreg s7  }
0xac: {  	[dreg:$0x4] =	wrdreg $0xC0  }
0xad: {  	_ =	task [dreg:s9], $0x5FFFF  }
0xae: {  	[dreg:$0x1] =	wrdreg $0xFFFFFFFF  }
0xaf: {  	[dreg:$0x0] =	wrdreg $0x60  }
0xb0: {  	[dreg:$0x2] =	wrdreg s2  }
0xb1: {  	[dreg:$0x3] =	wrdreg s18  }
0xb2: {  	[dreg:$0x4] =	wrdreg s4  }
0xb3: {  	[dreg:$0x5] =	wrdreg s24  }
0xb4: {  	[dreg:$0x6] =	wrdreg $0x9  }
0xb5: {  	_ =	task.clear_ibuf [dreg:s9], $0x7FFFF;
	_ =	strace $0x90000046  }
0xb6: {  	s29 =	simm.s32 $0x9;
	_ =	strace $0x80000048  }
0xb7: {  	_ =	swait.ge [sflag:s29], $0x1  }
0xb8: {  	[sflag:s29] =	ssyncadd.s32 $0xFFFFFFFF  }
0xb9: {  	_ =	strace $0x90000048  }
0xba: {  	_ =	sfence  }
0xbb: {  	s30 =	sld [smem:$0x0];
	_ =	sdelay $0x2  }
0xbc: {  	s31 =	sshll.u32 s1, $0xD;
	s1 =	sshrl.u32 s1, $0x2  }
0xbd: {  	s3 =	sand.u32 $0x4000, s31;
	s1 =	sadd.s32 s1, s30  }
0xbe: {  	s0 =	sor.u32 s3, s0;
	s1 =	sshll.u32 s1, $0x11  }
0xbf: {  	s0 =	sor.u32 s1, s0  }
0xc0: {  	s0 =	sadd.s32 $0x8F2B, s0  }
0xc1: {  	[sflag:s0] =	ssyncadd.remote.s32 $0x1  }
0xc2: {  	_ =	sfence.sel $0xFFFF  }
0xc3: {  	[dreg:$0x0] =	wrdreg $0xFFFFFFFF;
	(pc) =	sbr.abs _section_cstart, $3  }
0xc4: {  	[dreg:$0x1] =	wrdreg $0xFFFFFFFF  }
0xc5: {  	_ =	task.clear_ibuf [dreg:s9], $0x2FFFF;
	_ =	strace $0x9FFFFFFF  }
0xc6: {  	(tm) =	ssettm $0x7FFFFFFF  }
0xc7: {  	_ =	shalt  }
tec
execute0_lowered:
.L_overlay_start_1:
0x0: {  	(tag) =	ssettag $0x1  }
0x1: {  	s1 =	rddreg [dreg:$0x0]  }
0x2: {  	s2 =	rddreg [dreg:$0x1]  }
0x3: {  	s4 =	rddreg [dreg:$0x2];
	s3 =	srdreg.scid  }
0x4: {  	s0 =	stileid.u32;
	s11 =	rddreg [dreg:$0x3];
	s5 =	simm.s32 $0x0  }
0x5: {  	s13 =	simm.s32 $0x2000;
	s14 =	simm.s32 $0x800000;
	s17 =	simm.s32 $0x1  }
0x6: {  	s18 =	simm.s32 $0x8400;
	s19 =	simm.s32 $0xC400;
	s20 =	simm.s32 $0x10400  }
0x7: {  	s21 =	simm.s32 $0x2;
	s22 =	simm.s32 $0x10800;
	s23 =	simm.s32 $0x3  }
0x8: {  	s24 =	simm.s32 $0x0;
	s3 =	sand.u32 $0x1, s3;
	s6 =	sshll.u32 s0, $0x1  }
0x9: {  	[smem:$0x7FF] =	sst s5;
	s10 =	sor.u32 s3, s6;
	s3 =	ssub.s32 $0x2, s3  }
0xa: {  	s6 =	smul.u32 $0x3800, s10;
	s7 =	sshrl.u32 s3, $0x1;
	s12 =	sshll.u32 s10, $0x4  }
0xb: {  	_ =	strace $0x80000047;
	s3 =	ssub.s32 s3, s7;
	s11 =	sadd.s32 s11, s12  }
0xc: {  	s7 =	sadd.s32 s1, s6;
	s9 =	sshrl.u32 s6, $0x3;
	s8 =	sadd.s32 s2, s6  }
0xd: {  	s10 =	sadd.s32 $0x800, s6;
	s12 =	smax.u32 s3, $0x1;
	s9 =	sadd.s32 s4, s9  }
.LBB2_1:
0xe: {  	[tilespmem:s5], [sflag:$0x1] =	stream.strided.gather [hbm4b:s7+s13], $0x4000, s14, s13, $0x38;
	[tilespmem:$0x10880] =	vst v63  }
0xf: {  	s0 =	simm.s32 $0x4000  }
0x10: {  	[tilespmem:s0], [sflag:$0x1] =	stream.strided.gather [hbm4b:s8+s13], $0x4000, s14, s13, $0x38;
	[tilespmem:$0x10880] =	vst v63  }
0x11: {  	s31 =	simm.s32 $0x8000;
	s25 =	simm.s32 $0x0  }
0x12: {  	v17 =	vimm.f32 $0.0e+00;
	v14 =	vimm.f32 $0.0e+00;
	[tilespmem:s31], [sflag:$0x1] =	stream.linear.gather [hbm4b:s9+s5], $0x400, $0x38;
	[tilespmem:$0x10880] =	vst v63  }
.LBB2_2:
0x13: {  	_ =	swait.ge [sflag:s17], $0x4000  }
0x14: {  	[sflag:s17] =	ssyncset.done $0x0  }
0x15: {  	[sflag:s17] =	ssyncadd.s32 $0xFFFFC000  }
0x16: {  	_ =	swait.ge [sflag:s17], $0x4000  }
0x17: {  	[sflag:s17] =	ssyncset.done $0x0  }
0x18: {  	s26 =	sshll.u32 s25, $0xB;
	[sflag:s17] =	ssyncadd.s32 $0xFFFFC000  }
0x19: {  	s3 =	sadd.s32 s26, s6;
	_ =	swait.ge [sflag:s17], $0x400  }
0x1a: {  	s3 =	sadd.s32 $0x400, s3;
	[sflag:s17] =	ssyncset.done $0x0  }
0x1b: {  	s29 =	simm.s32 $0x0;
	s28 =	sadd.s32 s1, s3;
	[sflag:s17] =	ssyncadd.s32 $0xFFFFFC00  }
0x1c: {  	[tilespmem:s18], [sflag:$0x2] =	stream.strided.gather [hbm4b:s28+s13], $0x4000, s14, s13, $0x38;
	[tilespmem:$0x10880] =	vst v63  }
0x1d: {  	s16 =	simm.s32 $0x8000;
	s28 =	sadd.s32 s2, s3;
	s3 =	sshrl.u32 s3, $0x3  }
0x1e: {  	[tilespmem:s19], [sflag:$0x2] =	stream.strided.gather [hbm4b:s28+s13], $0x4000, s14, s13, $0x38;
	[tilespmem:$0x10880] =	vst v63  }
0x1f: {  	s30 =	sand.u32 $0x1C00, s29;
	s3 =	sadd.s32 s4, s3;
	s28 =	sand.u32 $0x70, s29  }
0x20: {  	[tilespmem:s20], [sflag:$0x2] =	stream.linear.gather [hbm4b:s3+s29], $0x400, $0x38;
	[tilespmem:$0x10880] =	vst v63  }
0x21: {  	s28 =	sor.u32 s28, s30;
	v0 =	vld [tilespmem:s16+$0x0]  }
0x22: {  	v2 =	vld [tilespmem:s28+$0x6200]  }
0x23: {  	s31 =	sor.u32 s29, s29;
	v1 =	vld [tilespmem:s28+$0x2080]  }
0x24: {  	s29 =	sor.u32 $0x2380, s31;
	v7 =	vld [tilespmem:s28+$0x6180]  }
0x25: {  	v9 =	vld [tilespmem:s29+$0x0]  }
0x26: {  	v3 =	vld [tilespmem:s28+$0x6080]  }
0x27: {  	v6 =	vld [tilespmem:s29+$0x4000]  }
0x28: {  	v4 =	vld [tilespmem:s28+$0x2200]  }
0x29: {  	v10 =	vld [tilespmem:s28+$0x4180]  }
0x2a: {  	v11 =	vld [tilespmem:s28+$0x6100]  }
0x2b: {  	v19 =	vld [tilespmem:s28+$0x4200]  }
0x2c: {  	v18 =	vld [tilespmem:s28+$0x200]  }
0x2d: {  	v15 =	vld [tilespmem:s28+$0x4280]  }
0x2e: {  	v24 =	vld [tilespmem:s28+$0x280]  }
0x2f: {  	v8 =	vld [tilespmem:s28+$0x2100];
	v0 =	vcvt.s32.f32 v0  }
0x30: {  	v5 =	vld [tilespmem:s28+$0x2180];
	v13 =	vsub.f32 v1, v3;
	v4 =	vsub.f32 v4, v2  }
0x31: {  	v16 =	vld [tilespmem:s28+$0x4300];
	v28 =	vsub.f32 v18, v19;
	v12 =	vadd.f32 $-1.000000000e+00, v0  }
0x32: {  	s3 =	sor.u32 $0x380, s31;
	v20 =	vld [tilespmem:s28+$0x4080];
	v21 =	vsub.f32 $2.000000000e+00, v0;
	v3 =	vmul.f32 v13, v3;
	v22 =	vmul.f32 v13, v13  }
0x33: {  	v26 =	vld [tilespmem:s3+$0x0];
	v24 =	vsub.f32 v24, v15;
	v23 =	vmul.f32 v4, v2;
	v19 =	vmul.f32 v28, v19  }
0x34: {  	v29 =	vld [tilespmem:s28+$0x100];
	v12 =	vmul.f32 v0, v12;
	v2 =	vmul.f32 v0, v21;
	v21 =	vsub.f32 v8, v11  }
0x35: {  	v32 =	vld [tilespmem:s28+$0x6000];
	v31 =	vmul.f32 v24, v15;
	v0 =	vmul.f32 v3, v3;
	v3 =	vsub.f32 v5, v7  }
0x36: {  	v1 =	vmul.f32 $5.000000000e-01, v12;
	v12 =	vld [tilespmem:s28+$0x300];
	v25 =	vmul.f32 v21, v11  }
0x37: {  	v27 =	vmul.f32 v3, v7;
	v7 =	vmul.f32 v21, v21;
	v21 =	vld [tilespmem:s28+$0x80]  }
0x38: {  	v34 =	vld [tilespmem:s28+$0x2000];
	v8 =	vmul.f32 v22, v1;
	v22 =	vmul.f32 v23, v23  }
0x39: {  	v19 =	vmul.f32 v19, v19;
	v5 =	vmul.f32 v0, v2;
	v23 =	vld [tilespmem:s28+$0x4100]  }
0x3a: {  	v11 =	vsub.f32 v9, v6;
	v0 =	vmul.f32 v22, v2;
	v22 =	vmul.f32 v25, v25;
	v25 =	vld [tilespmem:s28+$0x180]  }
0x3b: {  	v13 =	vld [tilespmem:s3+$0x4000];
	v15 =	vmul.f32 v19, v2;
	v9 =	vmul.f32 v7, v1;
	v18 =	vsub.f32 v12, v16  }
0x3c: {  	v12 =	vmul.f32 v11, v11;
	v21 =	vsub.f32 v21, v20;
	v7 =	vmul.f32 v22, v2  }
0x3d: {  	v30 =	vld [tilespmem:s28+$0x0];
	v22 =	vmul.f32 v28, v28;
	v16 =	vmul.f32 v18, v16  }
0x3e: {  	v34 =	vsub.f32 v34, v32;
	v28 =	vld [tilespmem:s28+$0x4000];
	v35 =	vmul.f32 v21, v21;
	v19 =	vmul.f32 v21, v20  }
0x3f: {  	v20 =	vsub.f32 v29, v23;
	v22 =	vmul.f32 v22, v1;
	v33 =	vsub.f32 v25, v10  }
0x40: {  	v25 =	vmul.f32 v24, v24;
	v24 =	vsub.f32 v26, v13;
	v26 =	vmul.f32 v31, v31  }
0x41: {  	v29 =	vmul.f32 v20, v23;
	v35 =	vmul.f32 v35, v1  }
0x42: {  	v20 =	vmul.f32 v20, v20;
	v23 =	vmul.f32 v34, v34  }
0x43: {  	v36 =	vld [tilespmem:s28+$0x6280];
	v38 =	vmul.f32 v19, v19;
	v21 =	vsub.f32 v30, v28;
	v30 =	vmul.f32 v33, v10  }
0x44: {  	v31 =	vld [tilespmem:s28+$0x2280];
	v25 =	vmul.f32 v25, v1;
	v10 =	vmul.f32 v24, v24  }
0x45: {  	v33 =	vmul.f32 v33, v33;
	v63 =	vmul.f32 v20, v1  }
0x46: {  	v29 =	vmul.f32 v29, v29;
	v37 =	vmul.f32 v21, v21  }
0x47: {  	v28 =	vmul.f32 v21, v28;
	v21 =	vmul.f32 v10, v1  }
0x48: {  	v10 =	vmul.f32 v27, v27;
	v19 =	vmul.f32 v37, v1  }
0x49: {  	v27 =	vmul.f32 v34, v32;
	v62 =	vsub.f32 v31, v36;
	v31 =	vmul.f32 v38, v2  }
0x4a: {  	v39 =	vmul.f32 v28, v28;
	v28 =	vmul.f32 v33, v1;
	v17 =	vadd.f32 v19, v17  }
0x4b: {  	v10 =	vmul.f32 v10, v2;
	v20 =	vmul.f32 v27, v27  }
0x4c: {  	v27 =	vmul.f32 v62, v36;
	v19 =	vmul.f32 v30, v30;
	v35 =	vadd.f32 v35, v17  }
0x4d: {  	v33 =	vmul.f32 v39, v2;
	v30 =	vmul.f32 v62, v62  }
0x4e: {  	s30 =	simm.s32 $0x8010;
	s29 =	simm.s32 $0x80;
	s3 =	simm.s32 $0x10;
	v17 =	vmul.f32 v20, v2;
	v20 =	vmul.f32 v27, v27;
	v27 =	vld [tilespmem:s28+$0x6300];
	v32 =	vadd.f32 v63, v35  }
.LBB2_3:
0x4f: {  	s0 =	sand.u32 $0x70, s3  }
0x50: {  	v34 =	vld [tilespmem:s30+$0x0];
	s15 =	sand.u32 $0x1C00, s29;
	v33 =	vadd.f32 v33, v14;
	v29 =	vmul.f32 v29, v2;
	v18 =	vmul.f32 v18, v18;
	s16 =	smov.u32 s3;
	s31 =	sadd.s32 $0x10, s3  }
0x51: {  	p0 =	sne.s32 s3, $0x3F0;
	v35 =	vmul.f32 v19, v2;
	v28 =	vadd.f32 v28, v32;
	v30 =	vmul.f32 v30, v1;
	v32 =	vld [tilespmem:s28+$0x2300];
	s28 =	sor.u32 s0, s15  }
0x52: {  	v26 =	vmul.f32 v26, v2;
	v13 =	vmul.f32 v24, v13;
	v14 =	vld [tilespmem:s28+$0x2280];
	v31 =	vadd.f32 v31, v33  }
0x53: {  	v3 =	vmul.f32 v3, v3;
	s0 =	sor.u32 s16, s29;
	v18 =	vmul.f32 v18, v1;
	v19 =	vld [tilespmem:s28+$0x6280];
	v22 =	vadd.f32 v22, v28  }
0x54: {  	v16 =	vmul.f32 v16, v16;
	s3 =	sor.u32 $0x380, s0;
	s0 =	sor.u32 $0x2380, s0;
	v13 =	vmul.f32 v13, v13;
	v24 =	vld [tilespmem:s28+$0x6200];
	v28 =	vadd.f32 v29, v31  }
0x55: {  	v29 =	vcvt.s32.f32 v34;
	v31 =	vld [tilespmem:s28+$0x2080];
	v22 =	vadd.f32 v25, v22;
	v25 =	vmul.f32 v3, v1  }
0x56: {  	v16 =	vmul.f32 v16, v2;
	v13 =	vmul.f32 v13, v2;
	v33 =	vld [tilespmem:s28+$0x6180];
	v3 =	vadd.f32 v35, v28  }
0x57: {  	v28 =	vadd.f32 $-1.000000000e+00, v29;
	v34 =	vld [tilespmem:s0+$0x0];
	v18 =	vadd.f32 v18, v22;
	v22 =	vmul.f32 v23, v1  }
0x58: {  	v11 =	vmul.f32 v11, v6;
	v12 =	vmul.f32 v12, v1;
	v23 =	vld [tilespmem:s28+$0x6080];
	v3 =	vadd.f32 v15, v3  }
0x59: {  	v15 =	vsub.f32 $2.000000000e+00, v29;
	v28 =	vmul.f32 v29, v28;
	v6 =	vld [tilespmem:s0+$0x4000];
	v18 =	vadd.f32 v21, v18  }
0x5a: {  	v11 =	vmul.f32 v11, v11;
	v21 =	vld [tilespmem:s28+$0x2200];
	v3 =	vadd.f32 v26, v3;
	v26 =	vsub.f32 v32, v27  }
0x5b: {  	v15 =	vmul.f32 v29, v15;
	v28 =	vmul.f32 $5.000000000e-01, v28;
	v29 =	vld [tilespmem:s28+$0x4180];
	v18 =	vadd.f32 v22, v18  }
0x5c: {  	v22 =	vld [tilespmem:s28+$0x2180];
	v3 =	vadd.f32 v16, v3;
	v16 =	vmul.f32 v26, v27;
	v27 =	vmul.f32 v11, v2  }
0x5d: {  	v11 =	vsub.f32 v31, v23;
	v31 =	vld [tilespmem:s28+$0x6100];
	v8 =	vadd.f32 v8, v18;
	v18 =	vmul.f32 v26, v26  }
0x5e: {  	v20 =	vmul.f32 v20, v2;
	v26 =	vld [tilespmem:s28+$0x2100];
	v3 =	vadd.f32 v13, v3;
	v13 =	vmul.f32 v4, v4  }
0x5f: {  	v32 =	vld [tilespmem:s28+$0x4280];
	v23 =	vmul.f32 v11, v23;
	v11 =	vmul.f32 v11, v11;
	v9 =	vadd.f32 v9, v8  }
0x60: {  	v4 =	vsub.f32 v21, v24;
	v35 =	vld [tilespmem:s28+$0x4300];
	v17 =	vadd.f32 v17, v3;
	v13 =	vmul.f32 v13, v1  }
0x61: {  	v21 =	vld [tilespmem:s28+$0x4200];
	v8 =	vmul.f32 v11, v28;
	v3 =	vsub.f32 v22, v33;
	v9 =	vadd.f32 v25, v9  }
0x62: {  	v11 =	vmul.f32 v4, v24;
	v25 =	vld [tilespmem:s28+$0x4080];
	v5 =	vadd.f32 v5, v17;
	v17 =	vmul.f32 v18, v1;
	v1 =	vmovc v28  }
0x63: {  	v22 =	vmul.f32 v23, v23;
	v18 =	vld [tilespmem:s28+$0x200];
	v23 =	vsub.f32 v26, v31;
	v9 =	vadd.f32 v13, v9  }
0x64: {  	v26 =	vmul.f32 v11, v11;
	v11 =	vsub.f32 v34, v6;
	v24 =	vld [tilespmem:s28+$0x300];
	v7 =	vadd.f32 v7, v5  }
0x65: {  	v33 =	vmul.f32 v3, v33;
	v5 =	vmul.f32 v22, v15;
	v28 =	vld [tilespmem:s28+$0x280];
	v9 =	vadd.f32 v30, v9  }
0x66: {  	v22 =	vmul.f32 v23, v23;
	v13 =	vld [tilespmem:s3+$0x4000];
	v7 =	vadd.f32 v10, v7;
	v10 =	vmul.f32 v16, v16  }
0x67: {  	v16 =	vmul.f32 v23, v31;
	v23 =	vmul.f32 v26, v15;
	v30 =	vld [tilespmem:s28+$0x4100];
	v17 =	vadd.f32 v17, v9  }
0x68: {  	v9 =	vmul.f32 v22, v1;
	v26 =	vld [tilespmem:s3+$0x0];
	v7 =	vadd.f32 v0, v7;
	v10 =	vmul.f32 v10, v2;
	v2 =	vmovc v15  }
0x69: {  	v22 =	vsub.f32 v18, v21;
	v16 =	vmul.f32 v16, v16;
	v0 =	vmovc v23;
	v15 =	vld [tilespmem:s28+$0x80];
	v17 =	vadd.f32 v12, v17  }
0x6a: {  	v18 =	vsub.f32 v24, v35;
	v12 =	vmul.f32 v11, v11;
	v23 =	vld [tilespmem:s28+$0x180];
	v20 =	vadd.f32 v20, v7  }
0x6b: {  	v21 =	vmul.f32 v22, v21;
	v7 =	vmul.f32 v16, v2;
	v31 =	vld [tilespmem:s28+$0x100]  }
0x6c: {  	v22 =	vmul.f32 v22, v22;
	v24 =	vsub.f32 v28, v32;
	v34 =	vld [tilespmem:s28+$0x0];
	v10 =	vadd.f32 v10, v20  }
0x6d: {  	v16 =	vmul.f32 v18, v35;
	v35 =	vsub.f32 v14, v19;
	v21 =	vmul.f32 v21, v21;
	v20 =	vld [tilespmem:s28+$0x4000]  }
0x6e: {  	v32 =	vmul.f32 v24, v32;
	v28 =	vsub.f32 v15, v25;
	v36 =	vld [tilespmem:s28+$0x6000];
	v14 =	vadd.f32 v27, v10  }
0x6f: {  	v22 =	vmul.f32 v22, v1;
	v10 =	vsub.f32 v23, v29;
	v23 =	vmul.f32 v24, v24;
	v27 =	vld [tilespmem:s28+$0x2000]  }
0x70: {  	v15 =	vmul.f32 v21, v2;
	v24 =	vsub.f32 v26, v13;
	v37 =	vmul.f32 v28, v28  }
0x71: {  	v26 =	vmul.f32 v32, v32;
	v21 =	vmul.f32 v28, v25;
	v28 =	vsub.f32 v31, v30  }
0x72: {  	v32 =	vmul.f32 v10, v29;
	v25 =	vmul.f32 v23, v1;
	v31 =	vsub.f32 v34, v20  }
0x73: {  	v29 =	vmul.f32 v28, v30;
	v30 =	vmul.f32 v24, v24  }
0x74: {  	v34 =	vmul.f32 v37, v1;
	v20 =	vmul.f32 v31, v20;
	v27 =	vsub.f32 v27, v36  }
0x75: {  	v10 =	vmul.f32 v10, v10;
	v31 =	vmul.f32 v31, v31  }
0x76: {  	v37 =	vmul.f32 v28, v28;
	v23 =	vmul.f32 v27, v27  }
0x77: {  	v38 =	vmul.f32 v21, v21;
	v21 =	vmul.f32 v30, v1  }
0x78: {  	v30 =	vmul.f32 v33, v33;
	v20 =	vmul.f32 v20, v20  }
0x79: {  	v31 =	vmul.f32 v31, v1;
	v27 =	vmul.f32 v27, v36  }
0x7a: {  	v28 =	vmul.f32 v10, v1;
	v10 =	vmul.f32 v30, v2  }
.Ltmp0:
0x7b: {  	v30 =	vmul.f32 v37, v1;
	v17 =	vadd.f32 v31, v17;
	v27 =	vmul.f32 v27, v27;
	(pc) =	sbr.rel @p0 .LBB2_3-.Ltmp0, $4  }
0x7c: {  	v29 =	vmul.f32 v29, v29;
	v31 =	vmul.f32 v35, v19  }
0x7d: {  	v19 =	vmul.f32 v32, v32;
	v34 =	vadd.f32 v34, v17;
	v17 =	vmul.f32 v27, v2  }
0x7e: {  	v33 =	vmul.f32 v20, v2;
	v20 =	vmul.f32 v31, v31  }
0x7f: {  	s30 =	sadd.s32 $0x10, s30;
	s29 =	sadd.s32 $0x80, s29;
	s3 =	smov.u32 s31;
	v31 =	vmul.f32 v38, v2;
	v32 =	vadd.f32 v30, v34;
	v30 =	vmul.f32 v35, v35;
	v27 =	vld [tilespmem:s28+$0x6300]  }
0x80: {  	v34 =	vld [tilespmem:s28+$0x2300];
	_ =	swait.ge [sflag:s21], $0x4000  }
0x81: {  	[sflag:s21] =	ssyncset.done $0x0  }
0x82: {  	[sflag:s21] =	ssyncadd.s32 $0xFFFFC000  }
0x83: {  	_ =	swait.ge [sflag:s21], $0x4000  }
0x84: {  	v14 =	vadd.f32 v33, v14;
	[sflag:s21] =	ssyncset.done $0x0  }
0x85: {  	p0 =	seq.s32 s25, $0x6;
	s31 =	simm.s32 $0x0;
	v28 =	vadd.f32 v28, v32;
	[sflag:s21] =	ssyncadd.s32 $0xFFFFC000  }
0x86: {  	v29 =	vmul.f32 v29, v2;
	s0 =	sadd.s32 @!p0 s26, s10;
	s15 =	simm.s32 @!p0 $0x2000;
	v14 =	vadd.f32 v31, v14;
	_ =	swait.ge [sflag:s21], $0x400  }
0x87: {  	v18 =	vmul.f32 v18, v18;
	s16 =	simm.s32 @!p0 $0x800000;
	s26 =	simm.s32 @!p0 $0x0;
	v22 =	vadd.f32 v22, v28;
	[sflag:s21] =	ssyncset.done $0x0  }
0x88: {  	v19 =	vmul.f32 v19, v2;
	s28 =	simm.s32 @!p0 $0x4000;
	s3 =	sadd.s32 @!p0 s1, s0;
	v14 =	vadd.f32 v29, v14;
	[sflag:s21] =	ssyncadd.s32 $0xFFFFFC00  }
0x89: {  	v18 =	vmul.f32 v18, v1;
	v22 =	vadd.f32 v25, v22;
	[tilespmem:s26], [sflag:$0x1] =	stream.strided.gather @!p0 [hbm4b:s3+s15], $0x4000, s16, s15, $0x38;
	[tilespmem:$0x10880] =	vst v63  }
0x8a: {  	s30 =	sor.u32 s31, s31;
	v14 =	vadd.f32 v19, v14;
	s3 =	sadd.s32 @!p0 s2, s0;
	s0 =	sshrl.u32 @!p0 s0, $0x3  }
0x8b: {  	v18 =	vadd.f32 v18, v22;
	[tilespmem:s28], [sflag:$0x1] =	stream.strided.gather @!p0 [hbm4b:s3+s15], $0x4000, s16, s15, $0x38;
	[tilespmem:$0x10880] =	vst v63  }
0x8c: {  	v13 =	vmul.f32 v24, v13;
	v6 =	vmul.f32 v11, v6;
	v14 =	vadd.f32 v15, v14;
	s0 =	sadd.s32 @!p0 s4, s0;
	s3 =	simm.s32 @!p0 $0x8000;
	s15 =	simm.s32 $0x10400  }
0x8d: {  	v15 =	vmul.f32 v23, v1;
	v11 =	vadd.f32 v21, v18;
	v21 =	vsub.f32 v34, v27;
	[tilespmem:s3], [sflag:$0x1] =	stream.linear.gather @!p0 [hbm4b:s0+s26], $0x400, $0x38;
	[tilespmem:$0x10880] =	vst v63  }
0x8e: {  	v3 =	vmul.f32 v3, v3;
	v24 =	vmul.f32 v26, v2;
	s0 =	sor.u32 $0x2380, s30;
	v31 =	vld [tilespmem:s15+$0x0]  }
0x8f: {  	v16 =	vmul.f32 v16, v16;
	v11 =	vadd.f32 v15, v11;
	v15 =	vmul.f32 v21, v21;
	v19 =	vld [tilespmem:s0+$0x8400]  }
0x90: {  	v13 =	vmul.f32 v13, v13;
	v26 =	vmul.f32 v3, v1;
	s16 =	sand.u32 $0x70, s31;
	s26 =	sand.u32 $0x1C00, s31;
	s31 =	sor.u32 $0x380, s30;
	v3 =	vld [tilespmem:s0+$0xC400]  }
0x91: {  	v16 =	vmul.f32 v16, v2;
	v14 =	vadd.f32 v24, v14;
	v51 =	vmul.f32 v15, v1;
	s26 =	sor.u32 s16, s26;
	v15 =	vld [tilespmem:s31+$0xC400]  }
0x92: {  	v28 =	vld [tilespmem:s26+$0xE600]  }
0x93: {  	v50 =	vmul.f32 v12, v1;
	v13 =	vmul.f32 v13, v2;
	v12 =	vadd.f32 v16, v14;
	v29 =	vld [tilespmem:s26+$0xA480]  }
0x94: {  	v6 =	vmul.f32 v6, v6;
	v25 =	vld [tilespmem:s26+$0xE580]  }
0x95: {  	v12 =	vadd.f32 v13, v12;
	v24 =	vld [tilespmem:s26+$0xA580]  }
0x96: {  	v14 =	vmul.f32 v21, v27;
	v27 =	vmul.f32 v6, v2;
	v6 =	vadd.f32 v8, v11;
	v40 =	vld [tilespmem:s26+$0xE400]  }
0x97: {  	v4 =	vmul.f32 v4, v4;
	v42 =	vld [tilespmem:s26+$0xA400];
	v12 =	vadd.f32 v17, v12  }
0x98: {  	v30 =	vmul.f32 v30, v1;
	v18 =	vld [tilespmem:s26+$0xA600];
	v6 =	vadd.f32 v9, v6  }
0x99: {  	v22 =	vld [tilespmem:s26+$0xE480];
	v17 =	vmul.f32 v4, v1;
	v4 =	vmul.f32 v14, v14;
	v35 =	vadd.f32 v5, v12  }
0x9a: {  	v23 =	vld [tilespmem:s26+$0xC580];
	v26 =	vadd.f32 v26, v6;
	v8 =	vcvt.s32.f32 v31;
	v12 =	vsub.f32 v19, v3  }
0x9b: {  	v52 =	vmul.f32 v4, v2;
	v19 =	vld [tilespmem:s26+$0x8580];
	v13 =	vsub.f32 v24, v25;
	v7 =	vadd.f32 v7, v35  }
0x9c: {  	v16 =	vld [tilespmem:s26+$0xE500];
	v31 =	vmul.f32 v20, v2;
	v56 =	vsub.f32 v42, v40;
	v9 =	vadd.f32 $-1.000000000e+00, v8  }
0x9d: {  	v11 =	vld [tilespmem:s26+$0xA500];
	v4 =	vsub.f32 v18, v28;
	v2 =	vsub.f32 $2.000000000e+00, v8;
	v38 =	vmul.f32 v13, v25  }
0x9e: {  	v21 =	vld [tilespmem:s26+$0xC680];
	v7 =	vadd.f32 v10, v7;
	v40 =	vmul.f32 v56, v40;
	v6 =	vmul.f32 v8, v9  }
0x9f: {  	v54 =	vld [tilespmem:s26+$0xA680];
	v9 =	vsub.f32 v29, v22;
	v2 =	vmul.f32 v8, v2;
	v58 =	vmul.f32 v38, v38  }
0xa0: {  	v14 =	vld [tilespmem:s26+$0xC600];
	v41 =	vsub.f32 v19, v23;
	v62 =	vmul.f32 v40, v40;
	v1 =	vmul.f32 $5.000000000e-01, v6  }
0xa1: {  	v18 =	vld [tilespmem:s26+$0x8600];
	v0 =	vadd.f32 v0, v7;
	v6 =	vmul.f32 v9, v22;
	v5 =	vmul.f32 v9, v9  }
0xa2: {  	v11 =	vsub.f32 v11, v16;
	v10 =	vld [tilespmem:s26+$0xE680];
	v9 =	vmul.f32 v4, v28;
	v23 =	vmul.f32 v41, v23  }
0xa3: {  	v20 =	vld [tilespmem:s26+$0xC700];
	v41 =	vmul.f32 v41, v41;
	v31 =	vadd.f32 v31, v0;
	v0 =	vmul.f32 v58, v2  }
0xa4: {  	v22 =	vld [tilespmem:s26+$0x8700];
	v8 =	vmul.f32 v6, v6;
	v6 =	vmul.f32 v5, v1  }
0xa5: {  	v37 =	vadd.f32 v17, v26;
	v28 =	vld [tilespmem:s26+$0x8680];
	v5 =	vmul.f32 v9, v9;
	v9 =	vmul.f32 v11, v16  }
0xa6: {  	v17 =	vld [tilespmem:s26+$0x8480];
	v11 =	vmul.f32 v11, v11;
	v16 =	vsub.f32 v18, v14;
	v8 =	vmul.f32 v8, v2  }
0xa7: {  	v29 =	vld [tilespmem:s26+$0xC480];
	v60 =	vsub.f32 v54, v10;
	v5 =	vmul.f32 v5, v2;
	v9 =	vmul.f32 v9, v9  }
0xa8: {  	v24 =	vld [tilespmem:s31+$0x8400];
	v11 =	vmul.f32 v11, v1;
	v25 =	vmul.f32 v16, v14  }
0xa9: {  	v39 =	vld [tilespmem:s26+$0x8400];
	v14 =	vmul.f32 v12, v12;
	v10 =	vmul.f32 v60, v10;
	v18 =	vsub.f32 v22, v20  }
0xaa: {  	v53 =	vld [tilespmem:s26+$0xC400];
	v26 =	vsub.f32 v28, v21;
	v28 =	vmul.f32 v16, v16;
	v9 =	vmul.f32 v9, v2  }
0xab: {  	v25 =	vmul.f32 v25, v25;
	v10 =	vmul.f32 v10, v10  }
0xac: {  	v36 =	vld [tilespmem:s26+$0xC500];
	v16 =	vmul.f32 v18, v20;
	v20 =	vsub.f32 v17, v29;
	v21 =	vmul.f32 v26, v21  }
0xad: {  	v24 =	vsub.f32 v24, v15;
	v22 =	vld [tilespmem:s26+$0x8500];
	v19 =	vmul.f32 v28, v1;
	v28 =	vmul.f32 v26, v26  }
0xae: {  	v17 =	vmul.f32 v25, v2;
	v25 =	vadd.f32 v30, v37;
	v43 =	vmul.f32 v20, v20  }
0xaf: {  	v29 =	vmul.f32 v20, v29;
	v26 =	vmul.f32 v21, v21;
	v21 =	vsub.f32 v39, v53  }
0xb0: {  	v20 =	vmul.f32 v28, v1;
	v28 =	vmul.f32 v24, v24  }
0xb1: {  	v33 =	vadd.f32 v51, v25;
	v35 =	vmul.f32 v21, v53;
	v21 =	vmul.f32 v21, v21  }
0xb2: {  	v22 =	vsub.f32 v22, v36;
	v25 =	vmul.f32 v56, v56;
	v55 =	vmul.f32 v43, v1  }
0xb3: {  	v7 =	vmul.f32 v29, v29;
	v29 =	vadd.f32 v50, v33;
	v21 =	vmul.f32 v21, v1  }
0xb4: {  	v30 =	vmul.f32 v22, v36;
	v57 =	vmul.f32 v22, v22  }
0xb5: {  	v22 =	vmul.f32 v28, v1;
	v28 =	vmul.f32 v41, v1;
	v21 =	vadd.f32 v21, v29  }
0xb6: {  	v31 =	vadd.f32 v52, v31;
	v59 =	vmul.f32 v35, v35;
	v61 =	vmul.f32 v57, v1  }
0xb7: {  	v30 =	vmul.f32 v30, v30;
	v29 =	vmul.f32 v23, v23;
	v63 =	vadd.f32 v55, v21  }
0xb8: {  	v23 =	vadd.f32 v27, v31;
	v33 =	vmul.f32 v59, v2;
	v31 =	vmul.f32 v7, v2  }
0xb9: {  	s29 =	simm.s32 $0x10410;
	s28 =	simm.s32 $0x80;
	s3 =	simm.s32 $0x10;
	v7 =	vmul.f32 v60, v60;
	v27 =	vld [tilespmem:s26+$0xE700];
	v21 =	vmul.f32 v62, v2;
	v32 =	vadd.f32 v61, v63  }
.LBB2_5:
0xba: {  	s0 =	sand.u32 $0x70, s3  }
0xbb: {  	v34 =	vld [tilespmem:s29+$0x0];
	s15 =	sand.u32 $0x1C00, s28;
	v33 =	vadd.f32 v33, v23;
	v30 =	vmul.f32 v30, v2;
	v18 =	vmul.f32 v18, v18;
	s16 =	smov.u32 s3;
	s30 =	sadd.s32 $0x10, s3  }
0xbc: {  	p0 =	sne.s32 s3, $0x3F0;
	v29 =	vmul.f32 v29, v2;
	v28 =	vadd.f32 v28, v32;
	v32 =	vmul.f32 v7, v1;
	v35 =	vld [tilespmem:s26+$0xA700];
	s26 =	sor.u32 s0, s15  }
0xbd: {  	v26 =	vmul.f32 v26, v2;
	v15 =	vmul.f32 v24, v15;
	v23 =	vld [tilespmem:s26+$0xA680];
	v31 =	vadd.f32 v31, v33  }
0xbe: {  	v13 =	vmul.f32 v13, v13;
	s0 =	sor.u32 s16, s28;
	v18 =	vmul.f32 v18, v1;
	v7 =	vld [tilespmem:s26+$0xE680];
	v19 =	vadd.f32 v19, v28  }
0xbf: {  	v16 =	vmul.f32 v16, v16;
	s3 =	sor.u32 $0x380, s0;
	s0 =	sor.u32 $0x2380, s0;
	v15 =	vmul.f32 v15, v15;
	v24 =	vld [tilespmem:s26+$0xE600];
	v28 =	vadd.f32 v30, v31  }
0xc0: {  	v30 =	vcvt.s32.f32 v34;
	v31 =	vld [tilespmem:s26+$0xA480];
	v19 =	vadd.f32 v20, v19;
	v20 =	vmul.f32 v13, v1  }
0xc1: {  	v16 =	vmul.f32 v16, v2;
	v15 =	vmul.f32 v15, v2;
	v33 =	vld [tilespmem:s26+$0xE580];
	v13 =	vadd.f32 v29, v28  }
0xc2: {  	v28 =	vadd.f32 $-1.000000000e+00, v30;
	v29 =	vld [tilespmem:s0+$0x8400];
	v18 =	vadd.f32 v18, v19;
	v19 =	vmul.f32 v25, v1  }
0xc3: {  	v12 =	vmul.f32 v12, v3;
	v14 =	vmul.f32 v14, v1;
	v25 =	vld [tilespmem:s26+$0xE480];
	v13 =	vadd.f32 v17, v13  }
0xc4: {  	v17 =	vsub.f32 $2.000000000e+00, v30;
	v28 =	vmul.f32 v30, v28;
	v3 =	vld [tilespmem:s0+$0xC400];
	v18 =	vadd.f32 v22, v18  }
0xc5: {  	v12 =	vmul.f32 v12, v12;
	v22 =	vld [tilespmem:s26+$0xA600];
	v13 =	vadd.f32 v26, v13;
	v26 =	vsub.f32 v35, v27  }
0xc6: {  	v17 =	vmul.f32 v30, v17;
	v28 =	vmul.f32 $5.000000000e-01, v28;
	v30 =	vld [tilespmem:s26+$0xC580];
	v18 =	vadd.f32 v19, v18  }
0xc7: {  	v19 =	vld [tilespmem:s26+$0xA580];
	v13 =	vadd.f32 v16, v13;
	v16 =	vmul.f32 v26, v27;
	v27 =	vmul.f32 v12, v2  }
0xc8: {  	v12 =	vsub.f32 v31, v25;
	v31 =	vld [tilespmem:s26+$0xE500];
	v6 =	vadd.f32 v6, v18;
	v18 =	vmul.f32 v26, v26  }
0xc9: {  	v10 =	vmul.f32 v10, v2;
	v26 =	vld [tilespmem:s26+$0xA500];
	v13 =	vadd.f32 v15, v13;
	v15 =	vmul.f32 v4, v4  }
0xca: {  	v34 =	vld [tilespmem:s26+$0xC680];
	v25 =	vmul.f32 v12, v25;
	v12 =	vmul.f32 v12, v12;
	v11 =	vadd.f32 v11, v6  }
0xcb: {  	v4 =	vsub.f32 v22, v24;
	v35 =	vld [tilespmem:s26+$0xC700];
	v21 =	vadd.f32 v21, v13;
	v15 =	vmul.f32 v15, v1  }
0xcc: {  	v22 =	vld [tilespmem:s26+$0xC600];
	v6 =	vmul.f32 v12, v28;
	v13 =	vsub.f32 v19, v33;
	v11 =	vadd.f32 v20, v11  }
0xcd: {  	v18 =	vmul.f32 v18, v1;
	v1 =	vmovc v28;
	v12 =	vmul.f32 v4, v24;
	v20 =	vld [tilespmem:s26+$0xC480];
	v8 =	vadd.f32 v8, v21  }
0xce: {  	v21 =	vmul.f32 v25, v25;
	v19 =	vld [tilespmem:s26+$0x8600];
	v24 =	vsub.f32 v26, v31;
	v11 =	vadd.f32 v15, v11  }
0xcf: {  	v26 =	vmul.f32 v12, v12;
	v12 =	vsub.f32 v29, v3;
	v25 =	vld [tilespmem:s26+$0x8700];
	v9 =	vadd.f32 v9, v8  }
0xd0: {  	v8 =	vmul.f32 v21, v17;
	v21 =	vmul.f32 v13, v33;
	v28 =	vld [tilespmem:s26+$0x8680];
	v11 =	vadd.f32 v32, v11  }
0xd1: {  	v29 =	vmul.f32 v24, v24;
	v15 =	vld [tilespmem:s3+$0xC400];
	v0 =	vadd.f32 v0, v9;
	v9 =	vmul.f32 v16, v16  }
0xd2: {  	v16 =	vmul.f32 v24, v31;
	v24 =	vmul.f32 v26, v17;
	v32 =	vld [tilespmem:s26+$0xC500];
	v18 =	vadd.f32 v18, v11  }
0xd3: {  	v11 =	vmul.f32 v29, v1;
	v26 =	vld [tilespmem:s3+$0x8400];
	v0 =	vadd.f32 v5, v0;
	v29 =	vmul.f32 v9, v2;
	v2 =	vmovc v17  }
0xd4: {  	v19 =	vsub.f32 v19, v22;
	v9 =	vmul.f32 v16, v16;
	v5 =	vmovc v24;
	v17 =	vld [tilespmem:s26+$0x8480];
	v31 =	vadd.f32 v14, v18  }
0xd5: {  	v18 =	vsub.f32 v25, v35;
	v14 =	vmul.f32 v12, v12;
	v24 =	vld [tilespmem:s26+$0x8580];
	v0 =	vadd.f32 v10, v0  }
0xd6: {  	v16 =	vmul.f32 v19, v22;
	v9 =	vmul.f32 v9, v2;
	v10 =	vld [tilespmem:s26+$0x8500]  }
0xd7: {  	v19 =	vmul.f32 v19, v19;
	v25 =	vsub.f32 v28, v34;
	v22 =	vld [tilespmem:s26+$0x8400];
	v0 =	vadd.f32 v29, v0  }
0xd8: {  	v29 =	vmul.f32 v16, v16;
	v16 =	vmul.f32 v18, v35;
	v35 =	vsub.f32 v23, v7;
	v28 =	vld [tilespmem:s26+$0xC400]  }
0xd9: {  	v34 =	vmul.f32 v25, v34;
	v33 =	vsub.f32 v17, v20;
	v36 =	vld [tilespmem:s26+$0xE400];
	v23 =	vadd.f32 v27, v0  }
0xda: {  	v19 =	vmul.f32 v19, v1;
	v25 =	vmul.f32 v25, v25;
	v0 =	vsub.f32 v24, v30;
	v27 =	vld [tilespmem:s26+$0xA400]  }
0xdb: {  	v17 =	vmul.f32 v29, v2;
	v24 =	vsub.f32 v26, v15;
	v37 =	vmul.f32 v33, v33  }
0xdc: {  	v26 =	vmul.f32 v34, v34;
	v29 =	vmul.f32 v33, v20;
	v10 =	vsub.f32 v10, v32  }
0xdd: {  	v20 =	vmul.f32 v25, v1;
	v33 =	vmul.f32 v0, v30;
	v22 =	vsub.f32 v22, v28  }
0xde: {  	v30 =	vmul.f32 v10, v32;
	v32 =	vmul.f32 v24, v24  }
0xdf: {  	v34 =	vmul.f32 v37, v1;
	v28 =	vmul.f32 v22, v28;
	v27 =	vsub.f32 v27, v36  }
0xe0: {  	v0 =	vmul.f32 v0, v0;
	v37 =	vmul.f32 v22, v22  }
0xe1: {  	v10 =	vmul.f32 v10, v10;
	v25 =	vmul.f32 v27, v27  }
0xe2: {  	v38 =	vmul.f32 v29, v29;
	v22 =	vmul.f32 v32, v1  }
0xe3: {  	v21 =	vmul.f32 v21, v21;
	v32 =	vmul.f32 v28, v28  }
0xe4: {  	v29 =	vmul.f32 v37, v1;
	v27 =	vmul.f32 v27, v36  }
0xe5: {  	v28 =	vmul.f32 v0, v1;
	v0 =	vmul.f32 v21, v2  }
.Ltmp1:
0xe6: {  	v36 =	vmul.f32 v10, v1;
	v21 =	vadd.f32 v29, v31;
	v10 =	vmul.f32 v27, v27;
	(pc) =	sbr.rel @p0 .LBB2_5-.Ltmp1, $4  }
0xe7: {  	v7 =	vmul.f32 v35, v7;
	v30 =	vmul.f32 v30, v30  }
0xe8: {  	v29 =	vmul.f32 v33, v33;
	v27 =	vadd.f32 v34, v21;
	v21 =	vmul.f32 v10, v2  }
0xe9: {  	v33 =	vmul.f32 v32, v2;
	v10 =	vmul.f32 v7, v7  }
0xea: {  	s29 =	sadd.s32 $0x10, s29;
	s28 =	sadd.s32 $0x80, s28;
	s3 =	smov.u32 s30;
	v31 =	vmul.f32 v38, v2;
	v7 =	vmul.f32 v35, v35;
	v32 =	vadd.f32 v36, v27;
	v27 =	vld [tilespmem:s26+$0xE700]  }
0xeb: {  	v23 =	vadd.f32 v33, v23;
	_ =	sdelay $0x1  }
0xec: {  	v30 =	vmul.f32 v30, v2;
	v23 =	vadd.f32 v31, v23;
	_ =	sdelay $0x1  }
0xed: {  	v29 =	vmul.f32 v29, v2;
	v23 =	vadd.f32 v30, v23;
	_ =	sdelay $0x1  }
0xee: {  	v18 =	vmul.f32 v18, v18;
	v28 =	vadd.f32 v28, v32;
	v23 =	vadd.f32 v29, v23  }
0xef: {  	v26 =	vmul.f32 v26, v2;
	v15 =	vmul.f32 v24, v15  }
0xf0: {  	v16 =	vmul.f32 v16, v16;
	v19 =	vadd.f32 v19, v28;
	v17 =	vadd.f32 v17, v23  }
0xf1: {  	v18 =	vmul.f32 v18, v1;
	v15 =	vmul.f32 v15, v15  }
0xf2: {  	v16 =	vmul.f32 v16, v2;
	v19 =	vadd.f32 v20, v19;
	v17 =	vadd.f32 v26, v17;
	_ =	sdelay $0x1  }
0xf3: {  	v15 =	vmul.f32 v15, v2;
	v18 =	vadd.f32 v18, v19;
	v16 =	vadd.f32 v16, v17;
	_ =	sdelay $0x1  }
0xf4: {  	v19 =	vmul.f32 v25, v1;
	v18 =	vadd.f32 v22, v18;
	v17 =	vld [tilespmem:s26+$0xA700];
	v15 =	vadd.f32 v15, v16;
	_ =	sdelay $0x1  }
0xf5: {  	v16 =	vadd.f32 v19, v18;
	v15 =	vadd.f32 v21, v15;
	_ =	sdelay $0x1  }
0xf6: {  	v13 =	vmul.f32 v13, v13;
	v6 =	vadd.f32 v6, v16;
	v8 =	vadd.f32 v8, v15  }
0xf7: {  	v4 =	vmul.f32 v4, v4;
	v3 =	vmul.f32 v12, v3;
	v15 =	vsub.f32 v17, v27  }
0xf8: {  	v13 =	vmul.f32 v13, v1;
	v6 =	vadd.f32 v11, v6;
	v8 =	vadd.f32 v9, v8  }
0xf9: {  	v10 =	vmul.f32 v10, v2;
	v4 =	vmul.f32 v4, v1  }
0xfa: {  	v57 =	vmul.f32 v15, v27;
	v6 =	vadd.f32 v13, v6;
	v0 =	vadd.f32 v0, v8  }
0xfb: {  	v7 =	vmul.f32 v7, v1;
	v58 =	vmul.f32 v15, v15  }
0xfc: {  	s25 =	sadd.s32 $0x1, s25;
	v4 =	vadd.f32 v4, v6;
	v59 =	vmul.f32 v57, v57;
	v0 =	vadd.f32 v5, v0  }
0xfd: {  	p0 =	sne.s32 s25, $0x7;
	v3 =	vmul.f32 v3, v3;
	v60 =	vmul.f32 v58, v1  }
.Ltmp2:
0xfe: {  	v4 =	vadd.f32 v7, v4;
	v6 =	vmul.f32 v59, v2;
	v0 =	vadd.f32 v10, v0;
	(pc) =	sbr.rel @p0 .LBB2_2-.Ltmp2, $3  }
0xff: {  	v61 =	vmul.f32 v14, v1  }
0x100: {  	v62 =	vmul.f32 v3, v2;
	v63 =	vadd.f32 v60, v4;
	v0 =	vadd.f32 v6, v0;
	_ =	sdelay $0x1  }
0x101: {  	v17 =	vadd.f32 v61, v63;
	v14 =	vadd.f32 v62, v0  }
0x102: {  	_ = 	snop  }
0x103: {  	s24 =	sadd.s32 $0x1, s24;
	v0 =	vadd.f32 v17, v14  }
0x104: {  	p0 =	sne.s32 s24, s12  }
.Ltmp3:
0x105: {  	[tilespmem:$0x10800] =	vst v0;
	(pc) =	sbr.rel @p0 .LBB2_1-.Ltmp3, $4  }
0x106: {  	[hbm4b:s11+s5] =	stream.linear.scatter [tilespmem:s22], [sflag:$0x3], $0x80, $0x38;
	[tilespmem:$0x10880] =	vst v63  }
0x107: {  	_ =	swait.ge [sflag:s23], $0x80  }
0x108: {  	[sflag:s23] =	ssyncset.done $0x0  }
0x109: {  	[sflag:s23] =	ssyncadd.s32 $0xFFFFFF80  }
0x10a: {  	_ =	sfence.sel $0x180000  }
0x10b: {  	[bflag:$0x0] =	sbarrier.arrive $0xFFFF  }
0x10c: {  	_ =	strace $0x90000047  }
0x10d: {  	s0 =	stileid.u32;
	[bflag:$0x2] =	sbarrier.arrive $0xFFFF  }
0x10e: {  	p0 =	sne.s32 s0, $0x0;
	s0 =	rddreg [dreg:$0x4]  }
0x10f: {  	s0 =	sadd.s32 @!p0 $0x100000, s0  }
0x110: {  	[sflag:s0] =	ssyncadd.tile.s32 @!p0 $0x1;
	_ =	shalt  }
.Lfunc_end2:
_tile_overlayer_lowered:
.L_overlay_start_2:
0x111: {  	(tag) =	ssettag $0x2  }
0x112: {  	s0 =	rddreg [dreg:$0x0];
	s2 =	stileid.u32  }
0x113: {  	s1 =	rddreg [dreg:$0x1];
	p0 =	sne.s32 s2, $0x0  }
0x114: {  	s3 =	rddreg [dreg:$0x2];
	[bflag:$0x3] =	sbarrier.arrive $0xFFFF;
	s2 =	simm.s32 @!p0 $0x1C03  }
0x115: {  	[timem:s3], [sflag:s2] =	dma.local @!p0 [hbm:s0], s1  }
0x116: {  	s0 =	simm.s32 @!p0 $0x3  }
0x117: {  	_ =	swait.ge @!p0 [sflag:s0], s1  }
0x118: {  	s1 =	ssub.s32 @!p0 $0x0, s1;
	[sflag:s0] =	ssyncset.done @!p0 $0x0  }
0x119: {  	[sflag:s0] =	ssyncadd.s32 @!p0 s1  }
0x11a: {  	[bflag:$0x3] =	sbarrier.arrive $0xFFFF  }
0x11b: {  	_ =	shalt  }

</sc_bundles>
